<compile_context>
chip_gen: v7x
topology: tpu7x:2x2x1
jax: 0.10.2.dev20260603
libtpu: 0.0.44.dev20260713+nightly
codegen_flags: <defaults>
</compile_context>

<pallas_src>
import functools

import jax
import jax.numpy as jnp
from jax import lax
from jax.experimental import pallas as pl
from jax.experimental.pallas import tpu as pltpu
from jax.experimental.pallas import tpu_sc as plsc

_B, _N, _M = 4, 4096, 4096
_NTC = 3392
_TN = 1696
_NT = _NTC // _TN
_NSC = _N - _NTC
_RPW = (_B * _NSC) // 32
_WPB = 8
_CPW = _M // _WPB
_C1 = 1000.0 / (2.0 * _B * _N)
_C2 = 1000.0 / (2.0 * _B * _M)
_L = 16
_BIG = 3.0e38




def _tc_body(a1_ref, a2t_ref, s1_ref, d2_ref, d2_scr):
    n = pl.program_id(1)

    a1 = a1_ref[0]
    a1x = a1[:, 0:1]
    a1y = a1[:, 1:2]
    a1z = a1[:, 2:3]
    asq = a1x * a1x + a1y * a1y + a1z * a1z

    a2t = a2t_ref[0]
    a2x = a2t[0:1, :]
    a2y = a2t[1:2, :]
    a2z = a2t[2:3, :]
    bsq = a2x * a2x + a2y * a2y + a2z * a2z

    u = jax.lax.dot_general(
        a1.astype(jnp.bfloat16),
        a2t.astype(jnp.bfloat16) * jnp.bfloat16(-2.0),
        (((1,), (0,)), ((), ())),
        preferred_element_type=jnp.float32,
    )
    d = (asq + bsq) + u

    @pl.when(jnp.logical_and(pl.program_id(0) == 0, n == 0))
    def _():
        s1_ref[...] = jnp.zeros((1, 1), jnp.float32)

    d1 = jnp.maximum(jnp.min(d, axis=1, keepdims=True), 0.0)
    s1_ref[...] += jnp.sum(jnp.sqrt(d1), keepdims=True)

    dmin = jnp.min(d, axis=0, keepdims=True)

    @pl.when(n == 0)
    def _():
        d2_scr[...] = dmin

    @pl.when(n > 0)
    def _():
        d2_scr[...] = jnp.minimum(d2_scr[...], dmin)

    @pl.when(n == _NT - 1)
    def _():
        d2_ref[...] = d2_scr[...][None]


def _tc_part(a1_tc, a2t):
    return pl.pallas_call(
        _tc_body,
        grid=(_B, _NT),
        in_specs=[
            pl.BlockSpec((1, _TN, 3), lambda b, n: (b, n, 0)),
            pl.BlockSpec((1, 3, _M), lambda b, n: (b, 0, 0)),
        ],
        out_specs=[
            pl.BlockSpec((1, 1), lambda b, n: (0, 0)),
            pl.BlockSpec((1, 1, _M), lambda b, n: (b, 0, 0)),
        ],
        out_shape=[
            jax.ShapeDtypeStruct((1, 1), jnp.float32),
            jax.ShapeDtypeStruct((_B, 1, _M), jnp.float32),
        ],
        scratch_shapes=[pltpu.VMEM((1, _M), jnp.float32)],
    )(a1_tc, a2t)




def _vsqrt(x):
    x = jnp.maximum(x, 0.0)
    i = plsc.bitcast(x, jnp.int32)
    i = jnp.int32(0x5F3759DF) - jnp.right_shift(i, jnp.int32(1))
    y = plsc.bitcast(i, jnp.float32)
    half_x = 0.5 * x
    for _ in range(3):
        y = y * (1.5 - half_x * y * y)
    return x * y


def _sc_body(a1x, a1y, a1z, a2x, a2y, a2z, out1, out2,
             r1x, r1y, r1z, sq1,
             f2x, f2y, f2z, r2x, r2y, r2z, bsq,
             cmin, rmin, comb, ctmp, accv, shared):
    c = lax.axis_index("c")
    s = lax.axis_index("s")
    batch = c * 2 + s // _WPB
    row0 = batch * _N + _NTC + (s % _WPB) * _RPW
    pltpu.sync_copy(a1x.at[pl.ds(row0, _RPW)], r1x)
    pltpu.sync_copy(a1y.at[pl.ds(row0, _RPW)], r1y)
    pltpu.sync_copy(a1z.at[pl.ds(row0, _RPW)], r1z)
    col0 = batch * _M
    pltpu.sync_copy(a2x.at[pl.ds(col0, _M)], f2x)
    pltpu.sync_copy(a2y.at[pl.ds(col0, _M)], f2y)
    pltpu.sync_copy(a2z.at[pl.ds(col0, _M)], f2z)

    def _rb(v):
        i = plsc.bitcast(v, jnp.uint32)
        lsb = jnp.bitwise_and(jnp.right_shift(i, jnp.uint32(16)), jnp.uint32(1))
        r = jnp.bitwise_and(i + jnp.uint32(0x7FFF) + lsb, jnp.uint32(0xFFFF0000))
        return plsc.bitcast(r, jnp.float32)

    def _prep1(k, carry):
        sl = pl.ds(k * _L, _L)
        x = r1x[sl]
        y = r1y[sl]
        z = r1z[sl]
        sq1[sl] = x * x + y * y + z * z
        r1x[sl] = _rb(x)
        r1y[sl] = _rb(y)
        r1z[sl] = _rb(z)
        return carry

    lax.fori_loop(0, _RPW // _L, _prep1, 0, unroll=2)

    def _prep2(k, carry):
        sl = pl.ds(k * _L, _L)
        x = f2x[sl]
        y = f2y[sl]
        z = f2z[sl]
        bsq[sl] = x * x + y * y + z * z
        r2x[sl] = jnp.float32(-2.0) * _rb(x)
        r2y[sl] = jnp.float32(-2.0) * _rb(y)
        r2z[sl] = jnp.float32(-2.0) * _rb(z)
        cmin[sl] = jnp.full((_L,), _BIG, jnp.float32)
        return carry

    lax.fori_loop(0, _M // _L, _prep2, 0, unroll=4)

    def _rowblock(rb, carry):
        base = rb * 8
        splats = []
        for r in range(8):
            idx = jnp.full((_L,), base + r, jnp.int32)
            splats.append((
                plsc.load_gather(r1x, [idx]),
                plsc.load_gather(r1y, [idx]),
                plsc.load_gather(r1z, [idx]),
                plsc.load_gather(sq1, [idx]),
            ))

        def _colblock(jb, rms):
            sl = pl.ds(jb * _L, _L)
            bx = r2x[sl]
            by = r2y[sl]
            bz = r2z[sl]
            bq = bsq[sl]
            cm = cmin[sl]
            new = []
            for r in range(8):
                ax, ay, az, aq = splats[r]
                cr = ax * bx + ay * by + az * bz
                d = (aq + bq) + cr
                new.append(jnp.minimum(rms[r], d))
                cm = jnp.minimum(cm, d)
            cmin[sl] = cm
            return tuple(new)

        rms = lax.fori_loop(
            0, _M // _L, _colblock,
            tuple(jnp.full((_L,), _BIG, jnp.float32) for _ in range(8)),
        )
        lane0 = lax.iota(jnp.int32, _L) == 0
        for r in range(8):
            m = jnp.min(rms[r])
            idx = jnp.full((_L,), base + r, jnp.int32)
            plsc.store_scatter(rmin, [idx], jnp.full((_L,), m), mask=lane0)
        return carry

    lax.fori_loop(0, _RPW // 8, _rowblock, 0)

    pltpu.sync_copy(cmin, shared.at[s])
    plsc.subcore_barrier()
    cbase = (s % _WPB) * _CPW
    peer0 = (s // _WPB) * _WPB

    def _init_comb(k, carry):
        comb[pl.ds(k * _L, _L)] = jnp.full((_L,), _BIG, jnp.float32)
        return carry

    lax.fori_loop(0, _CPW // _L, _init_comb, 0, unroll=4)

    def _peer(q, carry):
        pltpu.sync_copy(shared.at[peer0 + q, pl.ds(cbase, _CPW)], ctmp)

        def _mn(k, c2):
            sl = pl.ds(k * _L, _L)
            comb[sl] = jnp.minimum(comb[sl], ctmp[sl])
            return c2

        lax.fori_loop(0, _CPW // _L, _mn, 0, unroll=4)
        return carry

    lax.fori_loop(0, _WPB, _peer, 0)

    def _sum1(k, acc):
        return acc + _vsqrt(rmin[pl.ds(k * _L, _L)])

    acc1 = lax.fori_loop(0, _RPW // _L, _sum1,
                         jnp.zeros((_L,), jnp.float32), unroll=2)
    accv[0, :] = acc1
    wid = c * 16 + s
    pltpu.sync_copy(accv, out1.at[pl.ds(wid, 1)])
    pltpu.sync_copy(comb, out2.at[batch, 0, pl.ds(cbase, _CPW)])


def _sc_part(a1p, a2p):
    mesh = plsc.VectorSubcoreMesh(core_axis_name="c", subcore_axis_name="s")
    f = functools.partial(
        pl.kernel,
        mesh=mesh,
        compiler_params=pltpu.CompilerParams(needs_layout_passes=False),
        out_type=[
            jax.ShapeDtypeStruct((32, _L), jnp.float32),
            jax.ShapeDtypeStruct((_B, 1, _M), jnp.float32),
        ],
        scratch_types=[
            pltpu.VMEM((_RPW,), jnp.float32),
            pltpu.VMEM((_RPW,), jnp.float32),
            pltpu.VMEM((_RPW,), jnp.float32),
            pltpu.VMEM((_RPW,), jnp.float32),
            pltpu.VMEM((_M,), jnp.float32),
            pltpu.VMEM((_M,), jnp.float32),
            pltpu.VMEM((_M,), jnp.float32),
            pltpu.VMEM((_M,), jnp.float32),
            pltpu.VMEM((_M,), jnp.float32),
            pltpu.VMEM((_M,), jnp.float32),
            pltpu.VMEM((_M,), jnp.float32),
            pltpu.VMEM((_M,), jnp.float32),
            pltpu.VMEM((_RPW,), jnp.float32),
            pltpu.VMEM((_CPW,), jnp.float32),
            pltpu.VMEM((_CPW,), jnp.float32),
            pltpu.VMEM((1, _L), jnp.float32),
            pltpu.VMEM_SHARED((16, _M), jnp.float32),
        ],
    )(_sc_body)
    return f(a1p[0], a1p[1], a1p[2], a2p[0], a2p[1], a2p[2])




def _comb_body(s1tc_ref, s1sc_ref, d2a_ref, d2b_ref, out_ref):
    d2 = jnp.minimum(d2a_ref[...], d2b_ref[...])
    d2 = jnp.maximum(d2, 0.0)
    s2 = jnp.sum(jnp.sqrt(d2), keepdims=False)
    s1 = s1tc_ref[0, 0] + jnp.sum(s1sc_ref[...])
    out_ref[...] = jnp.full((1, 1), s1 * _C1, jnp.float32) + s2 * _C2


def _combine(s1tc, s1sc, d2a, d2b):
    return pl.pallas_call(
        _comb_body,
        out_shape=jax.ShapeDtypeStruct((1, 1), jnp.float32),
    )(s1tc, s1sc, d2a, d2b)


def kernel(array1, array2):
    a2t = jnp.transpose(array2, (0, 2, 1))
    a1_tc = array1[:, :_NTC]
    a1p = jnp.transpose(array1, (2, 0, 1)).reshape(3, _B * _N)
    a2p = jnp.transpose(array2, (2, 0, 1)).reshape(3, _B * _M)

    s1sc, d2sc = _sc_part(a1p, a2p)
    s1tc, d2tc = _tc_part(a1_tc, a2t)
    out = _combine(s1tc, s1sc, d2tc, d2sc)
    return out[0, 0]

# --- scband reference (transcript-rebuilt; emitter-appended) ---
"""Pipeline reference for scband-l1-chamfer-eval-19164144075465 (READ-ONLY COPY).

The authoritative reference and input builder live on the scoring server;
editing this copy changes nothing except your own understanding.
"""

import jax, jax.numpy as jnp
import numpy as np


def setup_inputs(seed: int = 0) -> dict:
    key = jax.random.key(seed)
    k1, k2 = jax.random.split(key)
    array1 = jax.random.normal(k1, (4, 4096, 3), dtype=jnp.float32)
    array2 = jax.random.normal(k2, (4, 4096, 3), dtype=jnp.float32)
    return {"array1": array1, "array2": array2}


def _chamfer_sq_dists(a1, a2):
    # Exact squared pairwise distances via ||a||^2 + ||b||^2 - 2 a.b
    a_sq = jnp.sum(a1 * a1, axis=-1)  # [B, N]
    b_sq = jnp.sum(a2 * a2, axis=-1)  # [B, M]
    cross = jnp.einsum('bnd,bmd->bnm', a1, a2)  # [B, N, M]
    d = a_sq[:, :, None] + b_sq[:, None, :] - 2.0 * cross
    d = jnp.maximum(d, 0.0)  # guard tiny negative values from fp error
    dist1 = jnp.min(d, axis=2)  # [B, N] min over array2 points
    dist2 = jnp.min(d, axis=1)  # [B, M] min over array1 points
    return dist1, dist2


def reference(array1, array2):
    dist1, dist2 = _chamfer_sq_dists(array1, array2)
    dist = jnp.mean(jnp.sqrt(dist1)) + jnp.mean(jnp.sqrt(dist2))
    return dist / 2.0 * 1000.0

if __name__ == "__main__":
    import jax
    _d = setup_inputs()
    print(jax.jit(kernel)(*tuple(_d.values())))

</pallas_src>

<mosaic_0001>
#map = affine_map<(d0, d1) -> (0)>
#map1 = affine_map<(d0, d1) -> (0, 0)>
#map2 = affine_map<(d0, d1) -> (0, 0, 0)>
module attributes {stable_mosaic.version = 14 : i64} {
  func.func @_sc_body(%arg0: i32, %arg1: i32, %arg2: memref<16384xf32, #tpu.memory_space<hbm>>, %arg3: memref<16384xf32, #tpu.memory_space<hbm>>, %arg4: memref<16384xf32, #tpu.memory_space<hbm>>, %arg5: memref<16384xf32, #tpu.memory_space<hbm>>, %arg6: memref<16384xf32, #tpu.memory_space<hbm>>, %arg7: memref<16384xf32, #tpu.memory_space<hbm>>, %arg8: memref<32x16xf32, #tpu.memory_space<hbm>>, %arg9: memref<4x1x4096xf32, #tpu.memory_space<hbm>>, %arg10: memref<88xf32, #tpu.memory_space<vmem>>, %arg11: memref<88xf32, #tpu.memory_space<vmem>>, %arg12: memref<88xf32, #tpu.memory_space<vmem>>, %arg13: memref<88xf32, #tpu.memory_space<vmem>>, %arg14: memref<4096xf32, #tpu.memory_space<vmem>>, %arg15: memref<4096xf32, #tpu.memory_space<vmem>>, %arg16: memref<4096xf32, #tpu.memory_space<vmem>>, %arg17: memref<4096xf32, #tpu.memory_space<vmem>>, %arg18: memref<4096xf32, #tpu.memory_space<vmem>>, %arg19: memref<4096xf32, #tpu.memory_space<vmem>>, %arg20: memref<4096xf32, #tpu.memory_space<vmem>>, %arg21: memref<4096xf32, #tpu.memory_space<vmem>>, %arg22: memref<88xf32, #tpu.memory_space<vmem>>, %arg23: memref<512xf32, #tpu.memory_space<vmem>>, %arg24: memref<512xf32, #tpu.memory_space<vmem>>, %arg25: memref<1x16xf32, #tpu.memory_space<vmem>>, %arg26: memref<16x4096xf32, #tpu.memory_space<vmem_shared>>) attributes {dimension_semantics = [#tpu.dimension_semantics<core_parallel>, #tpu.dimension_semantics<subcore_parallel>], iteration_bounds = array<i64: 2, 16>, scalar_prefetch = 0 : i64, scratch_operands = 17 : i64, tpu.core_type = #tpu.core_type<sc_vector_subcore>, window_params = [{transform_indices = #map}, {transform_indices = #map}, {transform_indices = #map}, {transform_indices = #map}, {transform_indices = #map}, {transform_indices = #map}, {transform_indices = #map1}, {transform_indices = #map2}]} {
    %mul3A = arith.constant 2 : i32
    %mul3A_0 = arith.muli %arg0, %mul3A : i32
    %jit3A = arith.constant 8 : i32
    %div3A = arith.divsi %arg1, %jit3A : i32
    %sign3A = arith.constant 0 : i32
    %sign3A_1 = arith.cmpi sgt, %arg1, %sign3A : i32
    %sign3A_2 = arith.extui %sign3A_1 : i1 to i32
    %sign3A_3 = arith.constant 0 : i32
    %sign3A_4 = arith.cmpi slt, %arg1, %sign3A_3 : i32
    %sign3A_5 = arith.extui %sign3A_4 : i1 to i32
    %sign3A_6 = arith.subi %sign3A_2, %sign3A_5 : i32
    %sign3A_7 = arith.constant 0 : i32
    %sign3A_8 = arith.cmpi sgt, %jit3A, %sign3A_7 : i32
    %sign3A_9 = arith.extui %sign3A_8 : i1 to i32
    %sign3A_10 = arith.constant 0 : i32
    %sign3A_11 = arith.cmpi slt, %jit3A, %sign3A_10 : i32
    %sign3A_12 = arith.extui %sign3A_11 : i1 to i32
    %sign3A_13 = arith.subi %sign3A_9, %sign3A_12 : i32
    %ne3A = arith.cmpi ne, %sign3A_6, %sign3A_13 : i32
    %rem3A = arith.remsi %arg1, %jit3A : i32
    %ne3A_14 = arith.constant 0 : i32
    %ne3A_15 = arith.cmpi ne, %rem3A, %ne3A_14 : i32
    %and3A = arith.andi %ne3A, %ne3A_15 : i1
    %sub3A = arith.constant 1 : i32
    %sub3A_16 = arith.subi %div3A, %sub3A : i32
    %select_n3A = arith.select %and3A, %sub3A_16, %div3A : i32
    %add3A = arith.addi %mul3A_0, %select_n3A : i32
    %mul3A_17 = arith.constant 4096 : i32
    %mul3A_18 = arith.muli %add3A, %mul3A_17 : i32
    %add3A_19 = arith.constant 3392 : i32
    %add3A_20 = arith.addi %mul3A_18, %add3A_19 : i32
    %jit3A_21 = arith.constant 8 : i32
    %eq3A = arith.constant 0 : i32
    %eq3A_22 = arith.cmpi eq, %jit3A_21, %eq3A : i32
    %jit3A_23 = arith.constant 1 : i32
    %select_n3A_24 = arith.select %eq3A_22, %jit3A_23, %jit3A_21 : i32
    %rem3A_25 = arith.remsi %arg1, %select_n3A_24 : i32
    %ne3A_26 = arith.constant 0 : i32
    %ne3A_27 = arith.cmpi ne, %rem3A_25, %ne3A_26 : i32
    %lt3A = arith.constant 0 : i32
    %lt3A_28 = arith.cmpi slt, %rem3A_25, %lt3A : i32
    %lt3A_29 = arith.constant 0 : i32
    %lt3A_30 = arith.cmpi slt, %select_n3A_24, %lt3A_29 : i32
    %ne3A_31 = arith.xori %lt3A_28, %lt3A_30 : i1
    %and3A_32 = arith.andi %ne3A_31, %ne3A_27 : i1
    %add3A_33 = arith.addi %rem3A_25, %select_n3A_24 : i32
    %select_n3A_34 = arith.select %and3A_32, %add3A_33, %rem3A_25 : i32
    %mul3A_35 = arith.constant 88 : i32
    %mul3A_36 = arith.muli %select_n3A_34, %mul3A_35 : i32
    %add3A_37 = arith.addi %add3A_20, %mul3A_36 : i32
    "tpu.region"() ({
      %run_scoped3A_229 = tpu.sem_alloc : memref<!tpu.dma_semaphore, #tpu.memory_space<semaphore_mem>>
      %dma_start3A = tpu.memref_slice %arg2[%add3A_37] : memref<16384xf32, #tpu.memory_space<hbm>> -> memref<88xf32, #tpu.memory_space<hbm>>
      %dma_start3A_230 = tpu.memref_slice %arg2[%add3A_37] : memref<16384xf32, #tpu.memory_space<hbm>> -> memref<88xf32, #tpu.memory_space<hbm>>
      tpu.enqueue_dma source(%dma_start3A_230 : memref<88xf32, #tpu.memory_space<hbm>>) target(%arg10 : memref<88xf32, #tpu.memory_space<vmem>>) target_semaphore(%run_scoped3A_229 : memref<!tpu.dma_semaphore, #tpu.memory_space<semaphore_mem>>)
      %dma_wait3A = tpu.memref_slice %arg2[%add3A_37] : memref<16384xf32, #tpu.memory_space<hbm>> -> memref<88xf32, #tpu.memory_space<hbm>>
      %dma_wait3A_231 = tpu.memref_slice %arg2[%add3A_37] : memref<16384xf32, #tpu.memory_space<hbm>> -> memref<88xf32, #tpu.memory_space<hbm>>
      tpu.wait_dma2 semaphore(%run_scoped3A_229 : memref<!tpu.dma_semaphore, #tpu.memory_space<semaphore_mem>>) src(%dma_wait3A_231 : memref<88xf32, #tpu.memory_space<hbm>>) dst(%arg10 : memref<88xf32, #tpu.memory_space<vmem>>)
      tpu.yield
    }) : () -> ()
    "tpu.region"() ({
      %run_scoped3A_229 = tpu.sem_alloc : memref<!tpu.dma_semaphore, #tpu.memory_space<semaphore_mem>>
      %dma_start3A = tpu.memref_slice %arg3[%add3A_37] : memref<16384xf32, #tpu.memory_space<hbm>> -> memref<88xf32, #tpu.memory_space<hbm>>
      %dma_start3A_230 = tpu.memref_slice %arg3[%add3A_37] : memref<16384xf32, #tpu.memory_space<hbm>> -> memref<88xf32, #tpu.memory_space<hbm>>
      tpu.enqueue_dma source(%dma_start3A_230 : memref<88xf32, #tpu.memory_space<hbm>>) target(%arg11 : memref<88xf32, #tpu.memory_space<vmem>>) target_semaphore(%run_scoped3A_229 : memref<!tpu.dma_semaphore, #tpu.memory_space<semaphore_mem>>)
      %dma_wait3A = tpu.memref_slice %arg3[%add3A_37] : memref<16384xf32, #tpu.memory_space<hbm>> -> memref<88xf32, #tpu.memory_space<hbm>>
      %dma_wait3A_231 = tpu.memref_slice %arg3[%add3A_37] : memref<16384xf32, #tpu.memory_space<hbm>> -> memref<88xf32, #tpu.memory_space<hbm>>
      tpu.wait_dma2 semaphore(%run_scoped3A_229 : memref<!tpu.dma_semaphore, #tpu.memory_space<semaphore_mem>>) src(%dma_wait3A_231 : memref<88xf32, #tpu.memory_space<hbm>>) dst(%arg11 : memref<88xf32, #tpu.memory_space<vmem>>)
      tpu.yield
    }) : () -> ()
    "tpu.region"() ({
      %run_scoped3A_229 = tpu.sem_alloc : memref<!tpu.dma_semaphore, #tpu.memory_space<semaphore_mem>>
      %dma_start3A = tpu.memref_slice %arg4[%add3A_37] : memref<16384xf32, #tpu.memory_space<hbm>> -> memref<88xf32, #tpu.memory_space<hbm>>
      %dma_start3A_230 = tpu.memref_slice %arg4[%add3A_37] : memref<16384xf32, #tpu.memory_space<hbm>> -> memref<88xf32, #tpu.memory_space<hbm>>
      tpu.enqueue_dma source(%dma_start3A_230 : memref<88xf32, #tpu.memory_space<hbm>>) target(%arg12 : memref<88xf32, #tpu.memory_space<vmem>>) target_semaphore(%run_scoped3A_229 : memref<!tpu.dma_semaphore, #tpu.memory_space<semaphore_mem>>)
      %dma_wait3A = tpu.memref_slice %arg4[%add3A_37] : memref<16384xf32, #tpu.memory_space<hbm>> -> memref<88xf32, #tpu.memory_space<hbm>>
      %dma_wait3A_231 = tpu.memref_slice %arg4[%add3A_37] : memref<16384xf32, #tpu.memory_space<hbm>> -> memref<88xf32, #tpu.memory_space<hbm>>
      tpu.wait_dma2 semaphore(%run_scoped3A_229 : memref<!tpu.dma_semaphore, #tpu.memory_space<semaphore_mem>>) src(%dma_wait3A_231 : memref<88xf32, #tpu.memory_space<hbm>>) dst(%arg12 : memref<88xf32, #tpu.memory_space<vmem>>)
      tpu.yield
    }) : () -> ()
    %mul3A_38 = arith.constant 4096 : i32
    %mul3A_39 = arith.muli %add3A, %mul3A_38 : i32
    "tpu.region"() ({
      %run_scoped3A_229 = tpu.sem_alloc : memref<!tpu.dma_semaphore, #tpu.memory_space<semaphore_mem>>
      %dma_start3A = tpu.memref_slice %arg5[%mul3A_39] : memref<16384xf32, #tpu.memory_space<hbm>> -> memref<4096xf32, #tpu.memory_space<hbm>>
      %dma_start3A_230 = tpu.memref_slice %arg5[%mul3A_39] : memref<16384xf32, #tpu.memory_space<hbm>> -> memref<4096xf32, #tpu.memory_space<hbm>>
      tpu.enqueue_dma source(%dma_start3A_230 : memref<4096xf32, #tpu.memory_space<hbm>>) target(%arg14 : memref<4096xf32, #tpu.memory_space<vmem>>) target_semaphore(%run_scoped3A_229 : memref<!tpu.dma_semaphore, #tpu.memory_space<semaphore_mem>>)
      %dma_wait3A = tpu.memref_slice %arg5[%mul3A_39] : memref<16384xf32, #tpu.memory_space<hbm>> -> memref<4096xf32, #tpu.memory_space<hbm>>
      %dma_wait3A_231 = tpu.memref_slice %arg5[%mul3A_39] : memref<16384xf32, #tpu.memory_space<hbm>> -> memref<4096xf32, #tpu.memory_space<hbm>>
      tpu.wait_dma2 semaphore(%run_scoped3A_229 : memref<!tpu.dma_semaphore, #tpu.memory_space<semaphore_mem>>) src(%dma_wait3A_231 : memref<4096xf32, #tpu.memory_space<hbm>>) dst(%arg14 : memref<4096xf32, #tpu.memory_space<vmem>>)
      tpu.yield
    }) : () -> ()
    "tpu.region"() ({
      %run_scoped3A_229 = tpu.sem_alloc : memref<!tpu.dma_semaphore, #tpu.memory_space<semaphore_mem>>
      %dma_start3A = tpu.memref_slice %arg6[%mul3A_39] : memref<16384xf32, #tpu.memory_space<hbm>> -> memref<4096xf32, #tpu.memory_space<hbm>>
      %dma_start3A_230 = tpu.memref_slice %arg6[%mul3A_39] : memref<16384xf32, #tpu.memory_space<hbm>> -> memref<4096xf32, #tpu.memory_space<hbm>>
      tpu.enqueue_dma source(%dma_start3A_230 : memref<4096xf32, #tpu.memory_space<hbm>>) target(%arg15 : memref<4096xf32, #tpu.memory_space<vmem>>) target_semaphore(%run_scoped3A_229 : memref<!tpu.dma_semaphore, #tpu.memory_space<semaphore_mem>>)
      %dma_wait3A = tpu.memref_slice %arg6[%mul3A_39] : memref<16384xf32, #tpu.memory_space<hbm>> -> memref<4096xf32, #tpu.memory_space<hbm>>
      %dma_wait3A_231 = tpu.memref_slice %arg6[%mul3A_39] : memref<16384xf32, #tpu.memory_space<hbm>> -> memref<4096xf32, #tpu.memory_space<hbm>>
      tpu.wait_dma2 semaphore(%run_scoped3A_229 : memref<!tpu.dma_semaphore, #tpu.memory_space<semaphore_mem>>) src(%dma_wait3A_231 : memref<4096xf32, #tpu.memory_space<hbm>>) dst(%arg15 : memref<4096xf32, #tpu.memory_space<vmem>>)
      tpu.yield
    }) : () -> ()
    "tpu.region"() ({
      %run_scoped3A_229 = tpu.sem_alloc : memref<!tpu.dma_semaphore, #tpu.memory_space<semaphore_mem>>
      %dma_start3A = tpu.memref_slice %arg7[%mul3A_39] : memref<16384xf32, #tpu.memory_space<hbm>> -> memref<4096xf32, #tpu.memory_space<hbm>>
      %dma_start3A_230 = tpu.memref_slice %arg7[%mul3A_39] : memref<16384xf32, #tpu.memory_space<hbm>> -> memref<4096xf32, #tpu.memory_space<hbm>>
      tpu.enqueue_dma source(%dma_start3A_230 : memref<4096xf32, #tpu.memory_space<hbm>>) target(%arg16 : memref<4096xf32, #tpu.memory_space<vmem>>) target_semaphore(%run_scoped3A_229 : memref<!tpu.dma_semaphore, #tpu.memory_space<semaphore_mem>>)
      %dma_wait3A = tpu.memref_slice %arg7[%mul3A_39] : memref<16384xf32, #tpu.memory_space<hbm>> -> memref<4096xf32, #tpu.memory_space<hbm>>
      %dma_wait3A_231 = tpu.memref_slice %arg7[%mul3A_39] : memref<16384xf32, #tpu.memory_space<hbm>> -> memref<4096xf32, #tpu.memory_space<hbm>>
      tpu.wait_dma2 semaphore(%run_scoped3A_229 : memref<!tpu.dma_semaphore, #tpu.memory_space<semaphore_mem>>) src(%dma_wait3A_231 : memref<4096xf32, #tpu.memory_space<hbm>>) dst(%arg16 : memref<4096xf32, #tpu.memory_space<vmem>>)
      tpu.yield
    }) : () -> ()
    %scan3A = arith.constant 0 : i32
    %scan3A_40 = arith.constant 0 : i32
    %scan3A_41 = arith.constant 4 : i32
    %scan3A_42 = arith.addi %scan3A_40, %scan3A_41 : i32
    %scan3A_43 = arith.constant 2 : i32
    scf.for %scan3A_229 = %scan3A_40 to %scan3A_42 step %scan3A_43  : i32 {
      %mul3A_230 = arith.constant 16 : i32
      %mul3A_231 = arith.muli %scan3A_229, %mul3A_230 : i32
      %get3A_232 = arith.index_cast %mul3A_231 : i32 to index
      %get3A_233 = tpu.vector_load %arg10[%get3A_232] {strides = array<i32>} : memref<88xf32, #tpu.memory_space<vmem>>, vector<16xf32>,
      %get3A_234 = arith.index_cast %mul3A_231 : i32 to index
      %get3A_235 = tpu.vector_load %arg11[%get3A_234] {strides = array<i32>} : memref<88xf32, #tpu.memory_space<vmem>>, vector<16xf32>,
      %get3A_236 = arith.index_cast %mul3A_231 : i32 to index
      %get3A_237 = tpu.vector_load %arg12[%get3A_236] {strides = array<i32>} : memref<88xf32, #tpu.memory_space<vmem>>, vector<16xf32>,
      %mul3A_238 = arith.mulf %get3A_233, %get3A_233 : vector<16xf32>
      %mul3A_239 = arith.mulf %get3A_235, %get3A_235 : vector<16xf32>
      %add3A_240 = arith.addf %mul3A_238, %mul3A_239 : vector<16xf32>
      %mul3A_241 = arith.mulf %get3A_237, %get3A_237 : vector<16xf32>
      %add3A_242 = arith.addf %add3A_240, %mul3A_241 : vector<16xf32>
      %swap3A_243 = arith.index_cast %mul3A_231 : i32 to index
      %swap3A_244 = tpu.vector_load %arg13[%swap3A_243] {strides = array<i32>} : memref<88xf32, #tpu.memory_space<vmem>>, vector<16xf32>,
      tpu.vector_store %arg13[%swap3A_243], %add3A_242 {strides = array<i32>} : memref<88xf32, #tpu.memory_space<vmem>>, vector<16xf32>,
      %bitcast3A_245 = vector.bitcast %get3A_233 : vector<16xf32> to vector<16xi32>
      %shift_right_logical3A_246 = arith.constant 16 : i32
      %shift_right_logical3A_247 = vector.broadcast %shift_right_logical3A_246 : i32 to vector<16xi32>
      %shift_right_logical3A_248 = arith.shrui %bitcast3A_245, %shift_right_logical3A_247 : vector<16xi32>
      %and3A_249 = arith.constant 1 : i32
      %and3A_250 = vector.broadcast %and3A_249 : i32 to vector<16xi32>
      %and3A_251 = arith.andi %shift_right_logical3A_248, %and3A_250 : vector<16xi32>
      %add3A_252 = arith.constant 32767 : i32
      %add3A_253 = vector.broadcast %add3A_252 : i32 to vector<16xi32>
      %add3A_254 = arith.addi %bitcast3A_245, %add3A_253 : vector<16xi32>
      %add3A_255 = arith.addi %add3A_254, %and3A_251 : vector<16xi32>
      %and3A_256 = arith.constant -65536 : i32
      %and3A_257 = vector.broadcast %and3A_256 : i32 to vector<16xi32>
      %and3A_258 = arith.andi %add3A_255, %and3A_257 : vector<16xi32>
      %bitcast3A_259 = vector.bitcast %and3A_258 : vector<16xi32> to vector<16xf32>
      %swap3A_260 = arith.index_cast %mul3A_231 : i32 to index
      %swap3A_261 = tpu.vector_load %arg10[%swap3A_260] {strides = array<i32>} : memref<88xf32, #tpu.memory_space<vmem>>, vector<16xf32>,
      tpu.vector_store %arg10[%swap3A_260], %bitcast3A_259 {strides = array<i32>} : memref<88xf32, #tpu.memory_space<vmem>>, vector<16xf32>,
      %bitcast3A_262 = vector.bitcast %get3A_235 : vector<16xf32> to vector<16xi32>
      %shift_right_logical3A_263 = arith.constant 16 : i32
      %shift_right_logical3A_264 = vector.broadcast %shift_right_logical3A_263 : i32 to vector<16xi32>
      %shift_right_logical3A_265 = arith.shrui %bitcast3A_262, %shift_right_logical3A_264 : vector<16xi32>
      %and3A_266 = arith.constant 1 : i32
      %and3A_267 = vector.broadcast %and3A_266 : i32 to vector<16xi32>
      %and3A_268 = arith.andi %shift_right_logical3A_265, %and3A_267 : vector<16xi32>
      %add3A_269 = arith.constant 32767 : i32
      %add3A_270 = vector.broadcast %add3A_269 : i32 to vector<16xi32>
      %add3A_271 = arith.addi %bitcast3A_262, %add3A_270 : vector<16xi32>
      %add3A_272 = arith.addi %add3A_271, %and3A_268 : vector<16xi32>
      %and3A_273 = arith.constant -65536 : i32
      %and3A_274 = vector.broadcast %and3A_273 : i32 to vector<16xi32>
      %and3A_275 = arith.andi %add3A_272, %and3A_274 : vector<16xi32>
      %bitcast3A_276 = vector.bitcast %and3A_275 : vector<16xi32> to vector<16xf32>
      %swap3A_277 = arith.index_cast %mul3A_231 : i32 to index
      %swap3A_278 = tpu.vector_load %arg11[%swap3A_277] {strides = array<i32>} : memref<88xf32, #tpu.memory_space<vmem>>, vector<16xf32>,
      tpu.vector_store %arg11[%swap3A_277], %bitcast3A_276 {strides = array<i32>} : memref<88xf32, #tpu.memory_space<vmem>>, vector<16xf32>,
      %bitcast3A_279 = vector.bitcast %get3A_237 : vector<16xf32> to vector<16xi32>
      %shift_right_logical3A_280 = arith.constant 16 : i32
      %shift_right_logical3A_281 = vector.broadcast %shift_right_logical3A_280 : i32 to vector<16xi32>
      %shift_right_logical3A_282 = arith.shrui %bitcast3A_279, %shift_right_logical3A_281 : vector<16xi32>
      %and3A_283 = arith.constant 1 : i32
      %and3A_284 = vector.broadcast %and3A_283 : i32 to vector<16xi32>
      %and3A_285 = arith.andi %shift_right_logical3A_282, %and3A_284 : vector<16xi32>
      %add3A_286 = arith.constant 32767 : i32
      %add3A_287 = vector.broadcast %add3A_286 : i32 to vector<16xi32>
      %add3A_288 = arith.addi %bitcast3A_279, %add3A_287 : vector<16xi32>
      %add3A_289 = arith.addi %add3A_288, %and3A_285 : vector<16xi32>
      %and3A_290 = arith.constant -65536 : i32
      %and3A_291 = vector.broadcast %and3A_290 : i32 to vector<16xi32>
      %and3A_292 = arith.andi %add3A_289, %and3A_291 : vector<16xi32>
      %bitcast3A_293 = vector.bitcast %and3A_292 : vector<16xi32> to vector<16xf32>
      %swap3A_294 = arith.index_cast %mul3A_231 : i32 to index
      %swap3A_295 = tpu.vector_load %arg12[%swap3A_294] {strides = array<i32>} : memref<88xf32, #tpu.memory_space<vmem>>, vector<16xf32>,
      tpu.vector_store %arg12[%swap3A_294], %bitcast3A_293 {strides = array<i32>} : memref<88xf32, #tpu.memory_space<vmem>>, vector<16xf32>,
      %scan3A_296 = arith.constant 1 : i32
      %scan3A_297 = arith.addi %scan3A_229, %scan3A_296 : i32
      %mul3A_298 = arith.constant 16 : i32
      %mul3A_299 = arith.muli %scan3A_297, %mul3A_298 : i32
      %get3A_300 = arith.index_cast %mul3A_299 : i32 to index
      %get3A_301 = tpu.vector_load %arg10[%get3A_300] {strides = array<i32>} : memref<88xf32, #tpu.memory_space<vmem>>, vector<16xf32>,
      %get3A_302 = arith.index_cast %mul3A_299 : i32 to index
      %get3A_303 = tpu.vector_load %arg11[%get3A_302] {strides = array<i32>} : memref<88xf32, #tpu.memory_space<vmem>>, vector<16xf32>,
      %get3A_304 = arith.index_cast %mul3A_299 : i32 to index
      %get3A_305 = tpu.vector_load %arg12[%get3A_304] {strides = array<i32>} : memref<88xf32, #tpu.memory_space<vmem>>, vector<16xf32>,
      %mul3A_306 = arith.mulf %get3A_301, %get3A_301 : vector<16xf32>
      %mul3A_307 = arith.mulf %get3A_303, %get3A_303 : vector<16xf32>
      %add3A_308 = arith.addf %mul3A_306, %mul3A_307 : vector<16xf32>
      %mul3A_309 = arith.mulf %get3A_305, %get3A_305 : vector<16xf32>
      %add3A_310 = arith.addf %add3A_308, %mul3A_309 : vector<16xf32>
      %swap3A_311 = arith.index_cast %mul3A_299 : i32 to index
      %swap3A_312 = tpu.vector_load %arg13[%swap3A_311] {strides = array<i32>} : memref<88xf32, #tpu.memory_space<vmem>>, vector<16xf32>,
      tpu.vector_store %arg13[%swap3A_311], %add3A_310 {strides = array<i32>} : memref<88xf32, #tpu.memory_space<vmem>>, vector<16xf32>,
      %bitcast3A_313 = vector.bitcast %get3A_301 : vector<16xf32> to vector<16xi32>
      %shift_right_logical3A_314 = arith.constant 16 : i32
      %shift_right_logical3A_315 = vector.broadcast %shift_right_logical3A_314 : i32 to vector<16xi32>
      %shift_right_logical3A_316 = arith.shrui %bitcast3A_313, %shift_right_logical3A_315 : vector<16xi32>
      %and3A_317 = arith.constant 1 : i32
      %and3A_318 = vector.broadcast %and3A_317 : i32 to vector<16xi32>
      %and3A_319 = arith.andi %shift_right_logical3A_316, %and3A_318 : vector<16xi32>
      %add3A_320 = arith.constant 32767 : i32
      %add3A_321 = vector.broadcast %add3A_320 : i32 to vector<16xi32>
      %add3A_322 = arith.addi %bitcast3A_313, %add3A_321 : vector<16xi32>
      %add3A_323 = arith.addi %add3A_322, %and3A_319 : vector<16xi32>
      %and3A_324 = arith.constant -65536 : i32
      %and3A_325 = vector.broadcast %and3A_324 : i32 to vector<16xi32>
      %and3A_326 = arith.andi %add3A_323, %and3A_325 : vector<16xi32>
      %bitcast3A_327 = vector.bitcast %and3A_326 : vector<16xi32> to vector<16xf32>
      %swap3A_328 = arith.index_cast %mul3A_299 : i32 to index
      %swap3A_329 = tpu.vector_load %arg10[%swap3A_328] {strides = array<i32>} : memref<88xf32, #tpu.memory_space<vmem>>, vector<16xf32>,
      tpu.vector_store %arg10[%swap3A_328], %bitcast3A_327 {strides = array<i32>} : memref<88xf32, #tpu.memory_space<vmem>>, vector<16xf32>,
      %bitcast3A_330 = vector.bitcast %get3A_303 : vector<16xf32> to vector<16xi32>
      %shift_right_logical3A_331 = arith.constant 16 : i32
      %shift_right_logical3A_332 = vector.broadcast %shift_right_logical3A_331 : i32 to vector<16xi32>
      %shift_right_logical3A_333 = arith.shrui %bitcast3A_330, %shift_right_logical3A_332 : vector<16xi32>
      %and3A_334 = arith.constant 1 : i32
      %and3A_335 = vector.broadcast %and3A_334 : i32 to vector<16xi32>
      %and3A_336 = arith.andi %shift_right_logical3A_333, %and3A_335 : vector<16xi32>
      %add3A_337 = arith.constant 32767 : i32
      %add3A_338 = vector.broadcast %add3A_337 : i32 to vector<16xi32>
      %add3A_339 = arith.addi %bitcast3A_330, %add3A_338 : vector<16xi32>
      %add3A_340 = arith.addi %add3A_339, %and3A_336 : vector<16xi32>
      %and3A_341 = arith.constant -65536 : i32
      %and3A_342 = vector.broadcast %and3A_341 : i32 to vector<16xi32>
      %and3A_343 = arith.andi %add3A_340, %and3A_342 : vector<16xi32>
      %bitcast3A_344 = vector.bitcast %and3A_343 : vector<16xi32> to vector<16xf32>
      %swap3A_345 = arith.index_cast %mul3A_299 : i32 to index
      %swap3A_346 = tpu.vector_load %arg11[%swap3A_345] {strides = array<i32>} : memref<88xf32, #tpu.memory_space<vmem>>, vector<16xf32>,
      tpu.vector_store %arg11[%swap3A_345], %bitcast3A_344 {strides = array<i32>} : memref<88xf32, #tpu.memory_space<vmem>>, vector<16xf32>,
      %bitcast3A_347 = vector.bitcast %get3A_305 : vector<16xf32> to vector<16xi32>
      %shift_right_logical3A_348 = arith.constant 16 : i32
      %shift_right_logical3A_349 = vector.broadcast %shift_right_logical3A_348 : i32 to vector<16xi32>
      %shift_right_logical3A_350 = arith.shrui %bitcast3A_347, %shift_right_logical3A_349 : vector<16xi32>
      %and3A_351 = arith.constant 1 : i32
      %and3A_352 = vector.broadcast %and3A_351 : i32 to vector<16xi32>
      %and3A_353 = arith.andi %shift_right_logical3A_350, %and3A_352 : vector<16xi32>
      %add3A_354 = arith.constant 32767 : i32
      %add3A_355 = vector.broadcast %add3A_354 : i32 to vector<16xi32>
      %add3A_356 = arith.addi %bitcast3A_347, %add3A_355 : vector<16xi32>
      %add3A_357 = arith.addi %add3A_356, %and3A_353 : vector<16xi32>
      %and3A_358 = arith.constant -65536 : i32
      %and3A_359 = vector.broadcast %and3A_358 : i32 to vector<16xi32>
      %and3A_360 = arith.andi %add3A_357, %and3A_359 : vector<16xi32>
      %bitcast3A_361 = vector.bitcast %and3A_360 : vector<16xi32> to vector<16xf32>
      %swap3A_362 = arith.index_cast %mul3A_299 : i32 to index
      %swap3A_363 = tpu.vector_load %arg12[%swap3A_362] {strides = array<i32>} : memref<88xf32, #tpu.memory_space<vmem>>, vector<16xf32>,
      tpu.vector_store %arg12[%swap3A_362], %bitcast3A_361 {strides = array<i32>} : memref<88xf32, #tpu.memory_space<vmem>>, vector<16xf32>,
    }
    %scan3A_44 = arith.constant 4 : i32
    %scan3A_45 = arith.addi %scan3A_40, %scan3A_44 : i32
    %mul3A_46 = arith.constant 16 : i32
    %mul3A_47 = arith.muli %scan3A_45, %mul3A_46 : i32
    %get3A = arith.index_cast %mul3A_47 : i32 to index
    %get3A_48 = tpu.vector_load %arg10[%get3A] {strides = array<i32>} : memref<88xf32, #tpu.memory_space<vmem>>, vector<16xf32>,
    %get3A_49 = arith.index_cast %mul3A_47 : i32 to index
    %get3A_50 = tpu.vector_load %arg11[%get3A_49] {strides = array<i32>} : memref<88xf32, #tpu.memory_space<vmem>>, vector<16xf32>,
    %get3A_51 = arith.index_cast %mul3A_47 : i32 to index
    %get3A_52 = tpu.vector_load %arg12[%get3A_51] {strides = array<i32>} : memref<88xf32, #tpu.memory_space<vmem>>, vector<16xf32>,
    %mul3A_53 = arith.mulf %get3A_48, %get3A_48 : vector<16xf32>
    %mul3A_54 = arith.mulf %get3A_50, %get3A_50 : vector<16xf32>
    %add3A_55 = arith.addf %mul3A_53, %mul3A_54 : vector<16xf32>
    %mul3A_56 = arith.mulf %get3A_52, %get3A_52 : vector<16xf32>
    %add3A_57 = arith.addf %add3A_55, %mul3A_56 : vector<16xf32>
    %swap3A = arith.index_cast %mul3A_47 : i32 to index
    %swap3A_58 = tpu.vector_load %arg13[%swap3A] {strides = array<i32>} : memref<88xf32, #tpu.memory_space<vmem>>, vector<16xf32>,
    tpu.vector_store %arg13[%swap3A], %add3A_57 {strides = array<i32>} : memref<88xf32, #tpu.memory_space<vmem>>, vector<16xf32>,
    %bitcast3A = vector.bitcast %get3A_48 : vector<16xf32> to vector<16xi32>
    %shift_right_logical3A = arith.constant 16 : i32
    %shift_right_logical3A_59 = vector.broadcast %shift_right_logical3A : i32 to vector<16xi32>
    %shift_right_logical3A_60 = arith.shrui %bitcast3A, %shift_right_logical3A_59 : vector<16xi32>
    %and3A_61 = arith.constant 1 : i32
    %and3A_62 = vector.broadcast %and3A_61 : i32 to vector<16xi32>
    %and3A_63 = arith.andi %shift_right_logical3A_60, %and3A_62 : vector<16xi32>
    %add3A_64 = arith.constant 32767 : i32
    %add3A_65 = vector.broadcast %add3A_64 : i32 to vector<16xi32>
    %add3A_66 = arith.addi %bitcast3A, %add3A_65 : vector<16xi32>
    %add3A_67 = arith.addi %add3A_66, %and3A_63 : vector<16xi32>
    %and3A_68 = arith.constant -65536 : i32
    %and3A_69 = vector.broadcast %and3A_68 : i32 to vector<16xi32>
    %and3A_70 = arith.andi %add3A_67, %and3A_69 : vector<16xi32>
    %bitcast3A_71 = vector.bitcast %and3A_70 : vector<16xi32> to vector<16xf32>
    %swap3A_72 = arith.index_cast %mul3A_47 : i32 to index
    %swap3A_73 = tpu.vector_load %arg10[%swap3A_72] {strides = array<i32>} : memref<88xf32, #tpu.memory_space<vmem>>, vector<16xf32>,
    tpu.vector_store %arg10[%swap3A_72], %bitcast3A_71 {strides = array<i32>} : memref<88xf32, #tpu.memory_space<vmem>>, vector<16xf32>,
    %bitcast3A_74 = vector.bitcast %get3A_50 : vector<16xf32> to vector<16xi32>
    %shift_right_logical3A_75 = arith.constant 16 : i32
    %shift_right_logical3A_76 = vector.broadcast %shift_right_logical3A_75 : i32 to vector<16xi32>
    %shift_right_logical3A_77 = arith.shrui %bitcast3A_74, %shift_right_logical3A_76 : vector<16xi32>
    %and3A_78 = arith.constant 1 : i32
    %and3A_79 = vector.broadcast %and3A_78 : i32 to vector<16xi32>
    %and3A_80 = arith.andi %shift_right_logical3A_77, %and3A_79 : vector<16xi32>
    %add3A_81 = arith.constant 32767 : i32
    %add3A_82 = vector.broadcast %add3A_81 : i32 to vector<16xi32>
    %add3A_83 = arith.addi %bitcast3A_74, %add3A_82 : vector<16xi32>
    %add3A_84 = arith.addi %add3A_83, %and3A_80 : vector<16xi32>
    %and3A_85 = arith.constant -65536 : i32
    %and3A_86 = vector.broadcast %and3A_85 : i32 to vector<16xi32>
    %and3A_87 = arith.andi %add3A_84, %and3A_86 : vector<16xi32>
    %bitcast3A_88 = vector.bitcast %and3A_87 : vector<16xi32> to vector<16xf32>
    %swap3A_89 = arith.index_cast %mul3A_47 : i32 to index
    %swap3A_90 = tpu.vector_load %arg11[%swap3A_89] {strides = array<i32>} : memref<88xf32, #tpu.memory_space<vmem>>, vector<16xf32>,
    tpu.vector_store %arg11[%swap3A_89], %bitcast3A_88 {strides = array<i32>} : memref<88xf32, #tpu.memory_space<vmem>>, vector<16xf32>,
    %bitcast3A_91 = vector.bitcast %get3A_52 : vector<16xf32> to vector<16xi32>
    %shift_right_logical3A_92 = arith.constant 16 : i32
    %shift_right_logical3A_93 = vector.broadcast %shift_right_logical3A_92 : i32 to vector<16xi32>
    %shift_right_logical3A_94 = arith.shrui %bitcast3A_91, %shift_right_logical3A_93 : vector<16xi32>
    %and3A_95 = arith.constant 1 : i32
    %and3A_96 = vector.broadcast %and3A_95 : i32 to vector<16xi32>
    %and3A_97 = arith.andi %shift_right_logical3A_94, %and3A_96 : vector<16xi32>
    %add3A_98 = arith.constant 32767 : i32
    %add3A_99 = vector.broadcast %add3A_98 : i32 to vector<16xi32>
    %add3A_100 = arith.addi %bitcast3A_91, %add3A_99 : vector<16xi32>
    %add3A_101 = arith.addi %add3A_100, %and3A_97 : vector<16xi32>
    %and3A_102 = arith.constant -65536 : i32
    %and3A_103 = vector.broadcast %and3A_102 : i32 to vector<16xi32>
    %and3A_104 = arith.andi %add3A_101, %and3A_103 : vector<16xi32>
    %bitcast3A_105 = vector.bitcast %and3A_104 : vector<16xi32> to vector<16xf32>
    %swap3A_106 = arith.index_cast %mul3A_47 : i32 to index
    %swap3A_107 = tpu.vector_load %arg12[%swap3A_106] {strides = array<i32>} : memref<88xf32, #tpu.memory_space<vmem>>, vector<16xf32>,
    tpu.vector_store %arg12[%swap3A_106], %bitcast3A_105 {strides = array<i32>} : memref<88xf32, #tpu.memory_space<vmem>>, vector<16xf32>,
    %scan3A_108 = arith.constant 5 : i32
    %scan3A_109 = arith.constant 0 : i32
    %scan3A_110 = arith.constant 0 : i32
    %scan3A_111 = arith.constant 256 : i32
    %scan3A_112 = arith.addi %scan3A_110, %scan3A_111 : i32
    %scan3A_113 = arith.constant 4 : i32
    scf.for %scan3A_229 = %scan3A_110 to %scan3A_112 step %scan3A_113  : i32 {
      %mul3A_230 = arith.constant 16 : i32
      %mul3A_231 = arith.muli %scan3A_229, %mul3A_230 : i32
      %get3A_232 = arith.index_cast %mul3A_231 : i32 to index
      %get3A_233 = tpu.vector_load %arg14[%get3A_232] {strides = array<i32>} : memref<4096xf32, #tpu.memory_space<vmem>>, vector<16xf32>,
      %get3A_234 = arith.index_cast %mul3A_231 : i32 to index
      %get3A_235 = tpu.vector_load %arg15[%get3A_234] {strides = array<i32>} : memref<4096xf32, #tpu.memory_space<vmem>>, vector<16xf32>,
      %get3A_236 = arith.index_cast %mul3A_231 : i32 to index
      %get3A_237 = tpu.vector_load %arg16[%get3A_236] {strides = array<i32>} : memref<4096xf32, #tpu.memory_space<vmem>>, vector<16xf32>,
      %mul3A_238 = arith.mulf %get3A_233, %get3A_233 : vector<16xf32>
      %mul3A_239 = arith.mulf %get3A_235, %get3A_235 : vector<16xf32>
      %add3A_240 = arith.addf %mul3A_238, %mul3A_239 : vector<16xf32>
      %mul3A_241 = arith.mulf %get3A_237, %get3A_237 : vector<16xf32>
      %add3A_242 = arith.addf %add3A_240, %mul3A_241 : vector<16xf32>
      %swap3A_243 = arith.index_cast %mul3A_231 : i32 to index
      %swap3A_244 = tpu.vector_load %arg20[%swap3A_243] {strides = array<i32>} : memref<4096xf32, #tpu.memory_space<vmem>>, vector<16xf32>,
      tpu.vector_store %arg20[%swap3A_243], %add3A_242 {strides = array<i32>} : memref<4096xf32, #tpu.memory_space<vmem>>, vector<16xf32>,
      %bitcast3A_245 = vector.bitcast %get3A_233 : vector<16xf32> to vector<16xi32>
      %shift_right_logical3A_246 = arith.constant 16 : i32
      %shift_right_logical3A_247 = vector.broadcast %shift_right_logical3A_246 : i32 to vector<16xi32>
      %shift_right_logical3A_248 = arith.shrui %bitcast3A_245, %shift_right_logical3A_247 : vector<16xi32>
      %and3A_249 = arith.constant 1 : i32
      %and3A_250 = vector.broadcast %and3A_249 : i32 to vector<16xi32>
      %and3A_251 = arith.andi %shift_right_logical3A_248, %and3A_250 : vector<16xi32>
      %add3A_252 = arith.constant 32767 : i32
      %add3A_253 = vector.broadcast %add3A_252 : i32 to vector<16xi32>
      %add3A_254 = arith.addi %bitcast3A_245, %add3A_253 : vector<16xi32>
      %add3A_255 = arith.addi %add3A_254, %and3A_251 : vector<16xi32>
      %and3A_256 = arith.constant -65536 : i32
      %and3A_257 = vector.broadcast %and3A_256 : i32 to vector<16xi32>
      %and3A_258 = arith.andi %add3A_255, %and3A_257 : vector<16xi32>
      %bitcast3A_259 = vector.bitcast %and3A_258 : vector<16xi32> to vector<16xf32>
      %mul3A_260 = arith.constant -2.000000e+00 : f32
      %mul3A_261 = vector.broadcast %mul3A_260 : f32 to vector<16xf32>
      %mul3A_262 = arith.mulf %mul3A_261, %bitcast3A_259 : vector<16xf32>
      %swap3A_263 = arith.index_cast %mul3A_231 : i32 to index
      %swap3A_264 = tpu.vector_load %arg17[%swap3A_263] {strides = array<i32>} : memref<4096xf32, #tpu.memory_space<vmem>>, vector<16xf32>,
      tpu.vector_store %arg17[%swap3A_263], %mul3A_262 {strides = array<i32>} : memref<4096xf32, #tpu.memory_space<vmem>>, vector<16xf32>,
      %bitcast3A_265 = vector.bitcast %get3A_235 : vector<16xf32> to vector<16xi32>
      %shift_right_logical3A_266 = arith.constant 16 : i32
      %shift_right_logical3A_267 = vector.broadcast %shift_right_logical3A_266 : i32 to vector<16xi32>
      %shift_right_logical3A_268 = arith.shrui %bitcast3A_265, %shift_right_logical3A_267 : vector<16xi32>
      %and3A_269 = arith.constant 1 : i32
      %and3A_270 = vector.broadcast %and3A_269 : i32 to vector<16xi32>
      %and3A_271 = arith.andi %shift_right_logical3A_268, %and3A_270 : vector<16xi32>
      %add3A_272 = arith.constant 32767 : i32
      %add3A_273 = vector.broadcast %add3A_272 : i32 to vector<16xi32>
      %add3A_274 = arith.addi %bitcast3A_265, %add3A_273 : vector<16xi32>
      %add3A_275 = arith.addi %add3A_274, %and3A_271 : vector<16xi32>
      %and3A_276 = arith.constant -65536 : i32
      %and3A_277 = vector.broadcast %and3A_276 : i32 to vector<16xi32>
      %and3A_278 = arith.andi %add3A_275, %and3A_277 : vector<16xi32>
      %bitcast3A_279 = vector.bitcast %and3A_278 : vector<16xi32> to vector<16xf32>
      %mul3A_280 = arith.constant -2.000000e+00 : f32
      %mul3A_281 = vector.broadcast %mul3A_280 : f32 to vector<16xf32>
      %mul3A_282 = arith.mulf %mul3A_281, %bitcast3A_279 : vector<16xf32>
      %swap3A_283 = arith.index_cast %mul3A_231 : i32 to index
      %swap3A_284 = tpu.vector_load %arg18[%swap3A_283] {strides = array<i32>} : memref<4096xf32, #tpu.memory_space<vmem>>, vector<16xf32>,
      tpu.vector_store %arg18[%swap3A_283], %mul3A_282 {strides = array<i32>} : memref<4096xf32, #tpu.memory_space<vmem>>, vector<16xf32>,
      %bitcast3A_285 = vector.bitcast %get3A_237 : vector<16xf32> to vector<16xi32>
      %shift_right_logical3A_286 = arith.constant 16 : i32
      %shift_right_logical3A_287 = vector.broadcast %shift_right_logical3A_286 : i32 to vector<16xi32>
      %shift_right_logical3A_288 = arith.shrui %bitcast3A_285, %shift_right_logical3A_287 : vector<16xi32>
      %and3A_289 = arith.constant 1 : i32
      %and3A_290 = vector.broadcast %and3A_289 : i32 to vector<16xi32>
      %and3A_291 = arith.andi %shift_right_logical3A_288, %and3A_290 : vector<16xi32>
      %add3A_292 = arith.constant 32767 : i32
      %add3A_293 = vector.broadcast %add3A_292 : i32 to vector<16xi32>
      %add3A_294 = arith.addi %bitcast3A_285, %add3A_293 : vector<16xi32>
      %add3A_295 = arith.addi %add3A_294, %and3A_291 : vector<16xi32>
      %and3A_296 = arith.constant -65536 : i32
      %and3A_297 = vector.broadcast %and3A_296 : i32 to vector<16xi32>
      %and3A_298 = arith.andi %add3A_295, %and3A_297 : vector<16xi32>
      %bitcast3A_299 = vector.bitcast %and3A_298 : vector<16xi32> to vector<16xf32>
      %mul3A_300 = arith.constant -2.000000e+00 : f32
      %mul3A_301 = vector.broadcast %mul3A_300 : f32 to vector<16xf32>
      %mul3A_302 = arith.mulf %mul3A_301, %bitcast3A_299 : vector<16xf32>
      %swap3A_303 = arith.index_cast %mul3A_231 : i32 to index
      %swap3A_304 = tpu.vector_load %arg19[%swap3A_303] {strides = array<i32>} : memref<4096xf32, #tpu.memory_space<vmem>>, vector<16xf32>,
      tpu.vector_store %arg19[%swap3A_303], %mul3A_302 {strides = array<i32>} : memref<4096xf32, #tpu.memory_space<vmem>>, vector<16xf32>,
      %broadcast_in_dim3A_305 = arith.constant 3.000000e+38 : f32
      %broadcast_in_dim3A_306 = vector.broadcast %broadcast_in_dim3A_305 : f32 to vector<16xf32>
      %swap3A_307 = arith.index_cast %mul3A_231 : i32 to index
      %swap3A_308 = tpu.vector_load %arg21[%swap3A_307] {strides = array<i32>} : memref<4096xf32, #tpu.memory_space<vmem>>, vector<16xf32>,
      tpu.vector_store %arg21[%swap3A_307], %broadcast_in_dim3A_306 {strides = array<i32>} : memref<4096xf32, #tpu.memory_space<vmem>>, vector<16xf32>,
      %scan3A_309 = arith.constant 1 : i32
      %scan3A_310 = arith.addi %scan3A_229, %scan3A_309 : i32
      %mul3A_311 = arith.constant 16 : i32
      %mul3A_312 = arith.muli %scan3A_310, %mul3A_311 : i32
      %get3A_313 = arith.index_cast %mul3A_312 : i32 to index
      %get3A_314 = tpu.vector_load %arg14[%get3A_313] {strides = array<i32>} : memref<4096xf32, #tpu.memory_space<vmem>>, vector<16xf32>,
      %get3A_315 = arith.index_cast %mul3A_312 : i32 to index
      %get3A_316 = tpu.vector_load %arg15[%get3A_315] {strides = array<i32>} : memref<4096xf32, #tpu.memory_space<vmem>>, vector<16xf32>,
      %get3A_317 = arith.index_cast %mul3A_312 : i32 to index
      %get3A_318 = tpu.vector_load %arg16[%get3A_317] {strides = array<i32>} : memref<4096xf32, #tpu.memory_space<vmem>>, vector<16xf32>,
      %mul3A_319 = arith.mulf %get3A_314, %get3A_314 : vector<16xf32>
      %mul3A_320 = arith.mulf %get3A_316, %get3A_316 : vector<16xf32>
      %add3A_321 = arith.addf %mul3A_319, %mul3A_320 : vector<16xf32>
      %mul3A_322 = arith.mulf %get3A_318, %get3A_318 : vector<16xf32>
      %add3A_323 = arith.addf %add3A_321, %mul3A_322 : vector<16xf32>
      %swap3A_324 = arith.index_cast %mul3A_312 : i32 to index
      %swap3A_325 = tpu.vector_load %arg20[%swap3A_324] {strides = array<i32>} : memref<4096xf32, #tpu.memory_space<vmem>>, vector<16xf32>,
      tpu.vector_store %arg20[%swap3A_324], %add3A_323 {strides = array<i32>} : memref<4096xf32, #tpu.memory_space<vmem>>, vector<16xf32>,
      %bitcast3A_326 = vector.bitcast %get3A_314 : vector<16xf32> to vector<16xi32>
      %shift_right_logical3A_327 = arith.constant 16 : i32
      %shift_right_logical3A_328 = vector.broadcast %shift_right_logical3A_327 : i32 to vector<16xi32>
      %shift_right_logical3A_329 = arith.shrui %bitcast3A_326, %shift_right_logical3A_328 : vector<16xi32>
      %and3A_330 = arith.constant 1 : i32
      %and3A_331 = vector.broadcast %and3A_330 : i32 to vector<16xi32>
      %and3A_332 = arith.andi %shift_right_logical3A_329, %and3A_331 : vector<16xi32>
      %add3A_333 = arith.constant 32767 : i32
      %add3A_334 = vector.broadcast %add3A_333 : i32 to vector<16xi32>
      %add3A_335 = arith.addi %bitcast3A_326, %add3A_334 : vector<16xi32>
      %add3A_336 = arith.addi %add3A_335, %and3A_332 : vector<16xi32>
      %and3A_337 = arith.constant -65536 : i32
      %and3A_338 = vector.broadcast %and3A_337 : i32 to vector<16xi32>
      %and3A_339 = arith.andi %add3A_336, %and3A_338 : vector<16xi32>
      %bitcast3A_340 = vector.bitcast %and3A_339 : vector<16xi32> to vector<16xf32>
      %mul3A_341 = arith.constant -2.000000e+00 : f32
      %mul3A_342 = vector.broadcast %mul3A_341 : f32 to vector<16xf32>
      %mul3A_343 = arith.mulf %mul3A_342, %bitcast3A_340 : vector<16xf32>
      %swap3A_344 = arith.index_cast %mul3A_312 : i32 to index
      %swap3A_345 = tpu.vector_load %arg17[%swap3A_344] {strides = array<i32>} : memref<4096xf32, #tpu.memory_space<vmem>>, vector<16xf32>,
      tpu.vector_store %arg17[%swap3A_344], %mul3A_343 {strides = array<i32>} : memref<4096xf32, #tpu.memory_space<vmem>>, vector<16xf32>,
      %bitcast3A_346 = vector.bitcast %get3A_316 : vector<16xf32> to vector<16xi32>
      %shift_right_logical3A_347 = arith.constant 16 : i32
      %shift_right_logical3A_348 = vector.broadcast %shift_right_logical3A_347 : i32 to vector<16xi32>
      %shift_right_logical3A_349 = arith.shrui %bitcast3A_346, %shift_right_logical3A_348 : vector<16xi32>
      %and3A_350 = arith.constant 1 : i32
      %and3A_351 = vector.broadcast %and3A_350 : i32 to vector<16xi32>
      %and3A_352 = arith.andi %shift_right_logical3A_349, %and3A_351 : vector<16xi32>
      %add3A_353 = arith.constant 32767 : i32
      %add3A_354 = vector.broadcast %add3A_353 : i32 to vector<16xi32>
      %add3A_355 = arith.addi %bitcast3A_346, %add3A_354 : vector<16xi32>
      %add3A_356 = arith.addi %add3A_355, %and3A_352 : vector<16xi32>
      %and3A_357 = arith.constant -65536 : i32
      %and3A_358 = vector.broadcast %and3A_357 : i32 to vector<16xi32>
      %and3A_359 = arith.andi %add3A_356, %and3A_358 : vector<16xi32>
      %bitcast3A_360 = vector.bitcast %and3A_359 : vector<16xi32> to vector<16xf32>
      %mul3A_361 = arith.constant -2.000000e+00 : f32
      %mul3A_362 = vector.broadcast %mul3A_361 : f32 to vector<16xf32>
      %mul3A_363 = arith.mulf %mul3A_362, %bitcast3A_360 : vector<16xf32>
      %swap3A_364 = arith.index_cast %mul3A_312 : i32 to index
      %swap3A_365 = tpu.vector_load %arg18[%swap3A_364] {strides = array<i32>} : memref<4096xf32, #tpu.memory_space<vmem>>, vector<16xf32>,
      tpu.vector_store %arg18[%swap3A_364], %mul3A_363 {strides = array<i32>} : memref<4096xf32, #tpu.memory_space<vmem>>, vector<16xf32>,
      %bitcast3A_366 = vector.bitcast %get3A_318 : vector<16xf32> to vector<16xi32>
      %shift_right_logical3A_367 = arith.constant 16 : i32
      %shift_right_logical3A_368 = vector.broadcast %shift_right_logical3A_367 : i32 to vector<16xi32>
      %shift_right_logical3A_369 = arith.shrui %bitcast3A_366, %shift_right_logical3A_368 : vector<16xi32>
      %and3A_370 = arith.constant 1 : i32
      %and3A_371 = vector.broadcast %and3A_370 : i32 to vector<16xi32>
      %and3A_372 = arith.andi %shift_right_logical3A_369, %and3A_371 : vector<16xi32>
      %add3A_373 = arith.constant 32767 : i32
      %add3A_374 = vector.broadcast %add3A_373 : i32 to vector<16xi32>
      %add3A_375 = arith.addi %bitcast3A_366, %add3A_374 : vector<16xi32>
      %add3A_376 = arith.addi %add3A_375, %and3A_372 : vector<16xi32>
      %and3A_377 = arith.constant -65536 : i32
      %and3A_378 = vector.broadcast %and3A_377 : i32 to vector<16xi32>
      %and3A_379 = arith.andi %add3A_376, %and3A_378 : vector<16xi32>
      %bitcast3A_380 = vector.bitcast %and3A_379 : vector<16xi32> to vector<16xf32>
      %mul3A_381 = arith.constant -2.000000e+00 : f32
      %mul3A_382 = vector.broadcast %mul3A_381 : f32 to vector<16xf32>
      %mul3A_383 = arith.mulf %mul3A_382, %bitcast3A_380 : vector<16xf32>
      %swap3A_384 = arith.index_cast %mul3A_312 : i32 to index
      %swap3A_385 = tpu.vector_load %arg19[%swap3A_384] {strides = array<i32>} : memref<4096xf32, #tpu.memory_space<vmem>>, vector<16xf32>,
      tpu.vector_store %arg19[%swap3A_384], %mul3A_383 {strides = array<i32>} : memref<4096xf32, #tpu.memory_space<vmem>>, vector<16xf32>,
      %broadcast_in_dim3A_386 = arith.constant 3.000000e+38 : f32
      %broadcast_in_dim3A_387 = vector.broadcast %broadcast_in_dim3A_386 : f32 to vector<16xf32>
      %swap3A_388 = arith.index_cast %mul3A_312 : i32 to index
      %swap3A_389 = tpu.vector_load %arg21[%swap3A_388] {strides = array<i32>} : memref<4096xf32, #tpu.memory_space<vmem>>, vector<16xf32>,
      tpu.vector_store %arg21[%swap3A_388], %broadcast_in_dim3A_387 {strides = array<i32>} : memref<4096xf32, #tpu.memory_space<vmem>>, vector<16xf32>,
      %scan3A_390 = arith.constant 2 : i32
      %scan3A_391 = arith.addi %scan3A_229, %scan3A_390 : i32
      %mul3A_392 = arith.constant 16 : i32
      %mul3A_393 = arith.muli %scan3A_391, %mul3A_392 : i32
      %get3A_394 = arith.index_cast %mul3A_393 : i32 to index
      %get3A_395 = tpu.vector_load %arg14[%get3A_394] {strides = array<i32>} : memref<4096xf32, #tpu.memory_space<vmem>>, vector<16xf32>,
      %get3A_396 = arith.index_cast %mul3A_393 : i32 to index
      %get3A_397 = tpu.vector_load %arg15[%get3A_396] {strides = array<i32>} : memref<4096xf32, #tpu.memory_space<vmem>>, vector<16xf32>,
      %get3A_398 = arith.index_cast %mul3A_393 : i32 to index
      %get3A_399 = tpu.vector_load %arg16[%get3A_398] {strides = array<i32>} : memref<4096xf32, #tpu.memory_space<vmem>>, vector<16xf32>,
      %mul3A_400 = arith.mulf %get3A_395, %get3A_395 : vector<16xf32>
      %mul3A_401 = arith.mulf %get3A_397, %get3A_397 : vector<16xf32>
      %add3A_402 = arith.addf %mul3A_400, %mul3A_401 : vector<16xf32>
      %mul3A_403 = arith.mulf %get3A_399, %get3A_399 : vector<16xf32>
      %add3A_404 = arith.addf %add3A_402, %mul3A_403 : vector<16xf32>
      %swap3A_405 = arith.index_cast %mul3A_393 : i32 to index
      %swap3A_406 = tpu.vector_load %arg20[%swap3A_405] {strides = array<i32>} : memref<4096xf32, #tpu.memory_space<vmem>>, vector<16xf32>,
      tpu.vector_store %arg20[%swap3A_405], %add3A_404 {strides = array<i32>} : memref<4096xf32, #tpu.memory_space<vmem>>, vector<16xf32>,
      %bitcast3A_407 = vector.bitcast %get3A_395 : vector<16xf32> to vector<16xi32>
      %shift_right_logical3A_408 = arith.constant 16 : i32
      %shift_right_logical3A_409 = vector.broadcast %shift_right_logical3A_408 : i32 to vector<16xi32>
      %shift_right_logical3A_410 = arith.shrui %bitcast3A_407, %shift_right_logical3A_409 : vector<16xi32>
      %and3A_411 = arith.constant 1 : i32
      %and3A_412 = vector.broadcast %and3A_411 : i32 to vector<16xi32>
      %and3A_413 = arith.andi %shift_right_logical3A_410, %and3A_412 : vector<16xi32>
      %add3A_414 = arith.constant 32767 : i32
      %add3A_415 = vector.broadcast %add3A_414 : i32 to vector<16xi32>
      %add3A_416 = arith.addi %bitcast3A_407, %add3A_415 : vector<16xi32>
      %add3A_417 = arith.addi %add3A_416, %and3A_413 : vector<16xi32>
      %and3A_418 = arith.constant -65536 : i32
      %and3A_419 = vector.broadcast %and3A_418 : i32 to vector<16xi32>
      %and3A_420 = arith.andi %add3A_417, %and3A_419 : vector<16xi32>
      %bitcast3A_421 = vector.bitcast %and3A_420 : vector<16xi32> to vector<16xf32>
      %mul3A_422 = arith.constant -2.000000e+00 : f32
      %mul3A_423 = vector.broadcast %mul3A_422 : f32 to vector<16xf32>
      %mul3A_424 = arith.mulf %mul3A_423, %bitcast3A_421 : vector<16xf32>
      %swap3A_425 = arith.index_cast %mul3A_393 : i32 to index
      %swap3A_426 = tpu.vector_load %arg17[%swap3A_425] {strides = array<i32>} : memref<4096xf32, #tpu.memory_space<vmem>>, vector<16xf32>,
      tpu.vector_store %arg17[%swap3A_425], %mul3A_424 {strides = array<i32>} : memref<4096xf32, #tpu.memory_space<vmem>>, vector<16xf32>,
      %bitcast3A_427 = vector.bitcast %get3A_397 : vector<16xf32> to vector<16xi32>
      %shift_right_logical3A_428 = arith.constant 16 : i32
      %shift_right_logical3A_429 = vector.broadcast %shift_right_logical3A_428 : i32 to vector<16xi32>
      %shift_right_logical3A_430 = arith.shrui %bitcast3A_427, %shift_right_logical3A_429 : vector<16xi32>
      %and3A_431 = arith.constant 1 : i32
      %and3A_432 = vector.broadcast %and3A_431 : i32 to vector<16xi32>
      %and3A_433 = arith.andi %shift_right_logical3A_430, %and3A_432 : vector<16xi32>
      %add3A_434 = arith.constant 32767 : i32
      %add3A_435 = vector.broadcast %add3A_434 : i32 to vector<16xi32>
      %add3A_436 = arith.addi %bitcast3A_427, %add3A_435 : vector<16xi32>
      %add3A_437 = arith.addi %add3A_436, %and3A_433 : vector<16xi32>
      %and3A_438 = arith.constant -65536 : i32
      %and3A_439 = vector.broadcast %and3A_438 : i32 to vector<16xi32>
      %and3A_440 = arith.andi %add3A_437, %and3A_439 : vector<16xi32>
      %bitcast3A_441 = vector.bitcast %and3A_440 : vector<16xi32> to vector<16xf32>
      %mul3A_442 = arith.constant -2.000000e+00 : f32
      %mul3A_443 = vector.broadcast %mul3A_442 : f32 to vector<16xf32>
      %mul3A_444 = arith.mulf %mul3A_443, %bitcast3A_441 : vector<16xf32>
      %swap3A_445 = arith.index_cast %mul3A_393 : i32 to index
      %swap3A_446 = tpu.vector_load %arg18[%swap3A_445] {strides = array<i32>} : memref<4096xf32, #tpu.memory_space<vmem>>, vector<16xf32>,
      tpu.vector_store %arg18[%swap3A_445], %mul3A_444 {strides = array<i32>} : memref<4096xf32, #tpu.memory_space<vmem>>, vector<16xf32>,
      %bitcast3A_447 = vector.bitcast %get3A_399 : vector<16xf32> to vector<16xi32>
      %shift_right_logical3A_448 = arith.constant 16 : i32
      %shift_right_logical3A_449 = vector.broadcast %shift_right_logical3A_448 : i32 to vector<16xi32>
      %shift_right_logical3A_450 = arith.shrui %bitcast3A_447, %shift_right_logical3A_449 : vector<16xi32>
      %and3A_451 = arith.constant 1 : i32
      %and3A_452 = vector.broadcast %and3A_451 : i32 to vector<16xi32>
      %and3A_453 = arith.andi %shift_right_logical3A_450, %and3A_452 : vector<16xi32>
      %add3A_454 = arith.constant 32767 : i32
      %add3A_455 = vector.broadcast %add3A_454 : i32 to vector<16xi32>
      %add3A_456 = arith.addi %bitcast3A_447, %add3A_455 : vector<16xi32>
      %add3A_457 = arith.addi %add3A_456, %and3A_453 : vector<16xi32>
      %and3A_458 = arith.constant -65536 : i32
      %and3A_459 = vector.broadcast %and3A_458 : i32 to vector<16xi32>
      %and3A_460 = arith.andi %add3A_457, %and3A_459 : vector<16xi32>
      %bitcast3A_461 = vector.bitcast %and3A_460 : vector<16xi32> to vector<16xf32>
      %mul3A_462 = arith.constant -2.000000e+00 : f32
      %mul3A_463 = vector.broadcast %mul3A_462 : f32 to vector<16xf32>
      %mul3A_464 = arith.mulf %mul3A_463, %bitcast3A_461 : vector<16xf32>
      %swap3A_465 = arith.index_cast %mul3A_393 : i32 to index
      %swap3A_466 = tpu.vector_load %arg19[%swap3A_465] {strides = array<i32>} : memref<4096xf32, #tpu.memory_space<vmem>>, vector<16xf32>,
      tpu.vector_store %arg19[%swap3A_465], %mul3A_464 {strides = array<i32>} : memref<4096xf32, #tpu.memory_space<vmem>>, vector<16xf32>,
      %broadcast_in_dim3A_467 = arith.constant 3.000000e+38 : f32
      %broadcast_in_dim3A_468 = vector.broadcast %broadcast_in_dim3A_467 : f32 to vector<16xf32>
      %swap3A_469 = arith.index_cast %mul3A_393 : i32 to index
      %swap3A_470 = tpu.vector_load %arg21[%swap3A_469] {strides = array<i32>} : memref<4096xf32, #tpu.memory_space<vmem>>, vector<16xf32>,
      tpu.vector_store %arg21[%swap3A_469], %broadcast_in_dim3A_468 {strides = array<i32>} : memref<4096xf32, #tpu.memory_space<vmem>>, vector<16xf32>,
      %scan3A_471 = arith.constant 3 : i32
      %scan3A_472 = arith.addi %scan3A_229, %scan3A_471 : i32
      %mul3A_473 = arith.constant 16 : i32
      %mul3A_474 = arith.muli %scan3A_472, %mul3A_473 : i32
      %get3A_475 = arith.index_cast %mul3A_474 : i32 to index
      %get3A_476 = tpu.vector_load %arg14[%get3A_475] {strides = array<i32>} : memref<4096xf32, #tpu.memory_space<vmem>>, vector<16xf32>,
      %get3A_477 = arith.index_cast %mul3A_474 : i32 to index
      %get3A_478 = tpu.vector_load %arg15[%get3A_477] {strides = array<i32>} : memref<4096xf32, #tpu.memory_space<vmem>>, vector<16xf32>,
      %get3A_479 = arith.index_cast %mul3A_474 : i32 to index
      %get3A_480 = tpu.vector_load %arg16[%get3A_479] {strides = array<i32>} : memref<4096xf32, #tpu.memory_space<vmem>>, vector<16xf32>,
      %mul3A_481 = arith.mulf %get3A_476, %get3A_476 : vector<16xf32>
      %mul3A_482 = arith.mulf %get3A_478, %get3A_478 : vector<16xf32>
      %add3A_483 = arith.addf %mul3A_481, %mul3A_482 : vector<16xf32>
      %mul3A_484 = arith.mulf %get3A_480, %get3A_480 : vector<16xf32>
      %add3A_485 = arith.addf %add3A_483, %mul3A_484 : vector<16xf32>
      %swap3A_486 = arith.index_cast %mul3A_474 : i32 to index
      %swap3A_487 = tpu.vector_load %arg20[%swap3A_486] {strides = array<i32>} : memref<4096xf32, #tpu.memory_space<vmem>>, vector<16xf32>,
      tpu.vector_store %arg20[%swap3A_486], %add3A_485 {strides = array<i32>} : memref<4096xf32, #tpu.memory_space<vmem>>, vector<16xf32>,
      %bitcast3A_488 = vector.bitcast %get3A_476 : vector<16xf32> to vector<16xi32>
      %shift_right_logical3A_489 = arith.constant 16 : i32
      %shift_right_logical3A_490 = vector.broadcast %shift_right_logical3A_489 : i32 to vector<16xi32>
      %shift_right_logical3A_491 = arith.shrui %bitcast3A_488, %shift_right_logical3A_490 : vector<16xi32>
      %and3A_492 = arith.constant 1 : i32
      %and3A_493 = vector.broadcast %and3A_492 : i32 to vector<16xi32>
      %and3A_494 = arith.andi %shift_right_logical3A_491, %and3A_493 : vector<16xi32>
      %add3A_495 = arith.constant 32767 : i32
      %add3A_496 = vector.broadcast %add3A_495 : i32 to vector<16xi32>
      %add3A_497 = arith.addi %bitcast3A_488, %add3A_496 : vector<16xi32>
      %add3A_498 = arith.addi %add3A_497, %and3A_494 : vector<16xi32>
      %and3A_499 = arith.constant -65536 : i32
      %and3A_500 = vector.broadcast %and3A_499 : i32 to vector<16xi32>
      %and3A_501 = arith.andi %add3A_498, %and3A_500 : vector<16xi32>
      %bitcast3A_502 = vector.bitcast %and3A_501 : vector<16xi32> to vector<16xf32>
      %mul3A_503 = arith.constant -2.000000e+00 : f32
      %mul3A_504 = vector.broadcast %mul3A_503 : f32 to vector<16xf32>
      %mul3A_505 = arith.mulf %mul3A_504, %bitcast3A_502 : vector<16xf32>
      %swap3A_506 = arith.index_cast %mul3A_474 : i32 to index
      %swap3A_507 = tpu.vector_load %arg17[%swap3A_506] {strides = array<i32>} : memref<4096xf32, #tpu.memory_space<vmem>>, vector<16xf32>,
      tpu.vector_store %arg17[%swap3A_506], %mul3A_505 {strides = array<i32>} : memref<4096xf32, #tpu.memory_space<vmem>>, vector<16xf32>,
      %bitcast3A_508 = vector.bitcast %get3A_478 : vector<16xf32> to vector<16xi32>
      %shift_right_logical3A_509 = arith.constant 16 : i32
      %shift_right_logical3A_510 = vector.broadcast %shift_right_logical3A_509 : i32 to vector<16xi32>
      %shift_right_logical3A_511 = arith.shrui %bitcast3A_508, %shift_right_logical3A_510 : vector<16xi32>
      %and3A_512 = arith.constant 1 : i32
      %and3A_513 = vector.broadcast %and3A_512 : i32 to vector<16xi32>
      %and3A_514 = arith.andi %shift_right_logical3A_511, %and3A_513 : vector<16xi32>
      %add3A_515 = arith.constant 32767 : i32
      %add3A_516 = vector.broadcast %add3A_515 : i32 to vector<16xi32>
      %add3A_517 = arith.addi %bitcast3A_508, %add3A_516 : vector<16xi32>
      %add3A_518 = arith.addi %add3A_517, %and3A_514 : vector<16xi32>
      %and3A_519 = arith.constant -65536 : i32
      %and3A_520 = vector.broadcast %and3A_519 : i32 to vector<16xi32>
      %and3A_521 = arith.andi %add3A_518, %and3A_520 : vector<16xi32>
      %bitcast3A_522 = vector.bitcast %and3A_521 : vector<16xi32> to vector<16xf32>
      %mul3A_523 = arith.constant -2.000000e+00 : f32
      %mul3A_524 = vector.broadcast %mul3A_523 : f32 to vector<16xf32>
      %mul3A_525 = arith.mulf %mul3A_524, %bitcast3A_522 : vector<16xf32>
      %swap3A_526 = arith.index_cast %mul3A_474 : i32 to index
      %swap3A_527 = tpu.vector_load %arg18[%swap3A_526] {strides = array<i32>} : memref<4096xf32, #tpu.memory_space<vmem>>, vector<16xf32>,
      tpu.vector_store %arg18[%swap3A_526], %mul3A_525 {strides = array<i32>} : memref<4096xf32, #tpu.memory_space<vmem>>, vector<16xf32>,
      %bitcast3A_528 = vector.bitcast %get3A_480 : vector<16xf32> to vector<16xi32>
      %shift_right_logical3A_529 = arith.constant 16 : i32
      %shift_right_logical3A_530 = vector.broadcast %shift_right_logical3A_529 : i32 to vector<16xi32>
      %shift_right_logical3A_531 = arith.shrui %bitcast3A_528, %shift_right_logical3A_530 : vector<16xi32>
      %and3A_532 = arith.constant 1 : i32
      %and3A_533 = vector.broadcast %and3A_532 : i32 to vector<16xi32>
      %and3A_534 = arith.andi %shift_right_logical3A_531, %and3A_533 : vector<16xi32>
      %add3A_535 = arith.constant 32767 : i32
      %add3A_536 = vector.broadcast %add3A_535 : i32 to vector<16xi32>
      %add3A_537 = arith.addi %bitcast3A_528, %add3A_536 : vector<16xi32>
      %add3A_538 = arith.addi %add3A_537, %and3A_534 : vector<16xi32>
      %and3A_539 = arith.constant -65536 : i32
      %and3A_540 = vector.broadcast %and3A_539 : i32 to vector<16xi32>
      %and3A_541 = arith.andi %add3A_538, %and3A_540 : vector<16xi32>
      %bitcast3A_542 = vector.bitcast %and3A_541 : vector<16xi32> to vector<16xf32>
      %mul3A_543 = arith.constant -2.000000e+00 : f32
      %mul3A_544 = vector.broadcast %mul3A_543 : f32 to vector<16xf32>
      %mul3A_545 = arith.mulf %mul3A_544, %bitcast3A_542 : vector<16xf32>
      %swap3A_546 = arith.index_cast %mul3A_474 : i32 to index
      %swap3A_547 = tpu.vector_load %arg19[%swap3A_546] {strides = array<i32>} : memref<4096xf32, #tpu.memory_space<vmem>>, vector<16xf32>,
      tpu.vector_store %arg19[%swap3A_546], %mul3A_545 {strides = array<i32>} : memref<4096xf32, #tpu.memory_space<vmem>>, vector<16xf32>,
      %broadcast_in_dim3A_548 = arith.constant 3.000000e+38 : f32
      %broadcast_in_dim3A_549 = vector.broadcast %broadcast_in_dim3A_548 : f32 to vector<16xf32>
      %swap3A_550 = arith.index_cast %mul3A_474 : i32 to index
      %swap3A_551 = tpu.vector_load %arg21[%swap3A_550] {strides = array<i32>} : memref<4096xf32, #tpu.memory_space<vmem>>, vector<16xf32>,
      tpu.vector_store %arg21[%swap3A_550], %broadcast_in_dim3A_549 {strides = array<i32>} : memref<4096xf32, #tpu.memory_space<vmem>>, vector<16xf32>,
    }
    %scan3A_114 = arith.constant 256 : i32
    %scan3A_115 = arith.constant 0 : i32
    %scan3A_116 = arith.constant 0 : i32
    %scan3A_117 = arith.constant 11 : i32
    %scan3A_118 = arith.addi %scan3A_116, %scan3A_117 : i32
    %scan3A_119 = arith.constant 1 : i32
    scf.for %scan3A_229 = %scan3A_116 to %scan3A_118 step %scan3A_119  : i32 {
      %mul3A_230 = arith.constant 8 : i32
      %mul3A_231 = arith.muli %scan3A_229, %mul3A_230 : i32
      %add3A_232 = arith.constant 0 : i32
      %add3A_233 = arith.addi %mul3A_231, %add3A_232 : i32
      %broadcast_in_dim3A_234 = vector.broadcast %add3A_233 : i32 to vector<16xi32>
      %gather3A = tpu.vector_load_idx %arg10[%broadcast_in_dim3A_234] : memref<88xf32, #tpu.memory_space<vmem>>[vector<16xi32>], vector<16xf32>,
      %gather3A_235 = tpu.vector_load_idx %arg11[%broadcast_in_dim3A_234] : memref<88xf32, #tpu.memory_space<vmem>>[vector<16xi32>], vector<16xf32>,
      %gather3A_236 = tpu.vector_load_idx %arg12[%broadcast_in_dim3A_234] : memref<88xf32, #tpu.memory_space<vmem>>[vector<16xi32>], vector<16xf32>,
      %gather3A_237 = tpu.vector_load_idx %arg13[%broadcast_in_dim3A_234] : memref<88xf32, #tpu.memory_space<vmem>>[vector<16xi32>], vector<16xf32>,
      %add3A_238 = arith.constant 1 : i32
      %add3A_239 = arith.addi %mul3A_231, %add3A_238 : i32
      %broadcast_in_dim3A_240 = vector.broadcast %add3A_239 : i32 to vector<16xi32>
      %gather3A_241 = tpu.vector_load_idx %arg10[%broadcast_in_dim3A_240] : memref<88xf32, #tpu.memory_space<vmem>>[vector<16xi32>], vector<16xf32>,
      %gather3A_242 = tpu.vector_load_idx %arg11[%broadcast_in_dim3A_240] : memref<88xf32, #tpu.memory_space<vmem>>[vector<16xi32>], vector<16xf32>,
      %gather3A_243 = tpu.vector_load_idx %arg12[%broadcast_in_dim3A_240] : memref<88xf32, #tpu.memory_space<vmem>>[vector<16xi32>], vector<16xf32>,
      %gather3A_244 = tpu.vector_load_idx %arg13[%broadcast_in_dim3A_240] : memref<88xf32, #tpu.memory_space<vmem>>[vector<16xi32>], vector<16xf32>,
      %add3A_245 = arith.constant 2 : i32
      %add3A_246 = arith.addi %mul3A_231, %add3A_245 : i32
      %broadcast_in_dim3A_247 = vector.broadcast %add3A_246 : i32 to vector<16xi32>
      %gather3A_248 = tpu.vector_load_idx %arg10[%broadcast_in_dim3A_247] : memref<88xf32, #tpu.memory_space<vmem>>[vector<16xi32>], vector<16xf32>,
      %gather3A_249 = tpu.vector_load_idx %arg11[%broadcast_in_dim3A_247] : memref<88xf32, #tpu.memory_space<vmem>>[vector<16xi32>], vector<16xf32>,
      %gather3A_250 = tpu.vector_load_idx %arg12[%broadcast_in_dim3A_247] : memref<88xf32, #tpu.memory_space<vmem>>[vector<16xi32>], vector<16xf32>,
      %gather3A_251 = tpu.vector_load_idx %arg13[%broadcast_in_dim3A_247] : memref<88xf32, #tpu.memory_space<vmem>>[vector<16xi32>], vector<16xf32>,
      %add3A_252 = arith.constant 3 : i32
      %add3A_253 = arith.addi %mul3A_231, %add3A_252 : i32
      %broadcast_in_dim3A_254 = vector.broadcast %add3A_253 : i32 to vector<16xi32>
      %gather3A_255 = tpu.vector_load_idx %arg10[%broadcast_in_dim3A_254] : memref<88xf32, #tpu.memory_space<vmem>>[vector<16xi32>], vector<16xf32>,
      %gather3A_256 = tpu.vector_load_idx %arg11[%broadcast_in_dim3A_254] : memref<88xf32, #tpu.memory_space<vmem>>[vector<16xi32>], vector<16xf32>,
      %gather3A_257 = tpu.vector_load_idx %arg12[%broadcast_in_dim3A_254] : memref<88xf32, #tpu.memory_space<vmem>>[vector<16xi32>], vector<16xf32>,
      %gather3A_258 = tpu.vector_load_idx %arg13[%broadcast_in_dim3A_254] : memref<88xf32, #tpu.memory_space<vmem>>[vector<16xi32>], vector<16xf32>,
      %add3A_259 = arith.constant 4 : i32
      %add3A_260 = arith.addi %mul3A_231, %add3A_259 : i32
      %broadcast_in_dim3A_261 = vector.broadcast %add3A_260 : i32 to vector<16xi32>
      %gather3A_262 = tpu.vector_load_idx %arg10[%broadcast_in_dim3A_261] : memref<88xf32, #tpu.memory_space<vmem>>[vector<16xi32>], vector<16xf32>,
      %gather3A_263 = tpu.vector_load_idx %arg11[%broadcast_in_dim3A_261] : memref<88xf32, #tpu.memory_space<vmem>>[vector<16xi32>], vector<16xf32>,
      %gather3A_264 = tpu.vector_load_idx %arg12[%broadcast_in_dim3A_261] : memref<88xf32, #tpu.memory_space<vmem>>[vector<16xi32>], vector<16xf32>,
      %gather3A_265 = tpu.vector_load_idx %arg13[%broadcast_in_dim3A_261] : memref<88xf32, #tpu.memory_space<vmem>>[vector<16xi32>], vector<16xf32>,
      %add3A_266 = arith.constant 5 : i32
      %add3A_267 = arith.addi %mul3A_231, %add3A_266 : i32
      %broadcast_in_dim3A_268 = vector.broadcast %add3A_267 : i32 to vector<16xi32>
      %gather3A_269 = tpu.vector_load_idx %arg10[%broadcast_in_dim3A_268] : memref<88xf32, #tpu.memory_space<vmem>>[vector<16xi32>], vector<16xf32>,
      %gather3A_270 = tpu.vector_load_idx %arg11[%broadcast_in_dim3A_268] : memref<88xf32, #tpu.memory_space<vmem>>[vector<16xi32>], vector<16xf32>,
      %gather3A_271 = tpu.vector_load_idx %arg12[%broadcast_in_dim3A_268] : memref<88xf32, #tpu.memory_space<vmem>>[vector<16xi32>], vector<16xf32>,
      %gather3A_272 = tpu.vector_load_idx %arg13[%broadcast_in_dim3A_268] : memref<88xf32, #tpu.memory_space<vmem>>[vector<16xi32>], vector<16xf32>,
      %add3A_273 = arith.constant 6 : i32
      %add3A_274 = arith.addi %mul3A_231, %add3A_273 : i32
      %broadcast_in_dim3A_275 = vector.broadcast %add3A_274 : i32 to vector<16xi32>
      %gather3A_276 = tpu.vector_load_idx %arg10[%broadcast_in_dim3A_275] : memref<88xf32, #tpu.memory_space<vmem>>[vector<16xi32>], vector<16xf32>,
      %gather3A_277 = tpu.vector_load_idx %arg11[%broadcast_in_dim3A_275] : memref<88xf32, #tpu.memory_space<vmem>>[vector<16xi32>], vector<16xf32>,
      %gather3A_278 = tpu.vector_load_idx %arg12[%broadcast_in_dim3A_275] : memref<88xf32, #tpu.memory_space<vmem>>[vector<16xi32>], vector<16xf32>,
      %gather3A_279 = tpu.vector_load_idx %arg13[%broadcast_in_dim3A_275] : memref<88xf32, #tpu.memory_space<vmem>>[vector<16xi32>], vector<16xf32>,
      %add3A_280 = arith.constant 7 : i32
      %add3A_281 = arith.addi %mul3A_231, %add3A_280 : i32
      %broadcast_in_dim3A_282 = vector.broadcast %add3A_281 : i32 to vector<16xi32>
      %gather3A_283 = tpu.vector_load_idx %arg10[%broadcast_in_dim3A_282] : memref<88xf32, #tpu.memory_space<vmem>>[vector<16xi32>], vector<16xf32>,
      %gather3A_284 = tpu.vector_load_idx %arg11[%broadcast_in_dim3A_282] : memref<88xf32, #tpu.memory_space<vmem>>[vector<16xi32>], vector<16xf32>,
      %gather3A_285 = tpu.vector_load_idx %arg12[%broadcast_in_dim3A_282] : memref<88xf32, #tpu.memory_space<vmem>>[vector<16xi32>], vector<16xf32>,
      %gather3A_286 = tpu.vector_load_idx %arg13[%broadcast_in_dim3A_282] : memref<88xf32, #tpu.memory_space<vmem>>[vector<16xi32>], vector<16xf32>,
      %broadcast_in_dim3A_287 = arith.constant 3.000000e+38 : f32
      %broadcast_in_dim3A_288 = vector.broadcast %broadcast_in_dim3A_287 : f32 to vector<16xf32>
      %broadcast_in_dim3A_289 = arith.constant 3.000000e+38 : f32
      %broadcast_in_dim3A_290 = vector.broadcast %broadcast_in_dim3A_289 : f32 to vector<16xf32>
      %broadcast_in_dim3A_291 = arith.constant 3.000000e+38 : f32
      %broadcast_in_dim3A_292 = vector.broadcast %broadcast_in_dim3A_291 : f32 to vector<16xf32>
      %broadcast_in_dim3A_293 = arith.constant 3.000000e+38 : f32
      %broadcast_in_dim3A_294 = vector.broadcast %broadcast_in_dim3A_293 : f32 to vector<16xf32>
      %broadcast_in_dim3A_295 = arith.constant 3.000000e+38 : f32
      %broadcast_in_dim3A_296 = vector.broadcast %broadcast_in_dim3A_295 : f32 to vector<16xf32>
      %broadcast_in_dim3A_297 = arith.constant 3.000000e+38 : f32
      %broadcast_in_dim3A_298 = vector.broadcast %broadcast_in_dim3A_297 : f32 to vector<16xf32>
      %broadcast_in_dim3A_299 = arith.constant 3.000000e+38 : f32
      %broadcast_in_dim3A_300 = vector.broadcast %broadcast_in_dim3A_299 : f32 to vector<16xf32>
      %broadcast_in_dim3A_301 = arith.constant 3.000000e+38 : f32
      %broadcast_in_dim3A_302 = vector.broadcast %broadcast_in_dim3A_301 : f32 to vector<16xf32>
      %scan3A_303 = arith.constant 0 : i32
      %scan3A_304 = arith.constant 256 : i32
      %scan3A_305 = arith.addi %scan3A_303, %scan3A_304 : i32
      %scan3A_306 = arith.constant 1 : i32
      %scan3A_307:8 = scf.for %scan3A_375 = %scan3A_303 to %scan3A_305 step %scan3A_306 iter_args(%scan3A_376 = %broadcast_in_dim3A_288, %scan3A_377 = %broadcast_in_dim3A_290, %scan3A_378 = %broadcast_in_dim3A_292, %scan3A_379 = %broadcast_in_dim3A_294, %scan3A_380 = %broadcast_in_dim3A_296, %scan3A_381 = %broadcast_in_dim3A_298, %scan3A_382 = %broadcast_in_dim3A_300, %scan3A_383 = %broadcast_in_dim3A_302) -> (vector<16xf32>, vector<16xf32>, vector<16xf32>, vector<16xf32>, vector<16xf32>, vector<16xf32>, vector<16xf32>, vector<16xf32>)  : i32 {
        %mul3A_384 = arith.constant 16 : i32
        %mul3A_385 = arith.muli %scan3A_375, %mul3A_384 : i32
        %get3A_386 = arith.index_cast %mul3A_385 : i32 to index
        %get3A_387 = tpu.vector_load %arg17[%get3A_386] {strides = array<i32>} : memref<4096xf32, #tpu.memory_space<vmem>>, vector<16xf32>,
        %get3A_388 = arith.index_cast %mul3A_385 : i32 to index
        %get3A_389 = tpu.vector_load %arg18[%get3A_388] {strides = array<i32>} : memref<4096xf32, #tpu.memory_space<vmem>>, vector<16xf32>,
        %get3A_390 = arith.index_cast %mul3A_385 : i32 to index
        %get3A_391 = tpu.vector_load %arg19[%get3A_390] {strides = array<i32>} : memref<4096xf32, #tpu.memory_space<vmem>>, vector<16xf32>,
        %get3A_392 = arith.index_cast %mul3A_385 : i32 to index
        %get3A_393 = tpu.vector_load %arg20[%get3A_392] {strides = array<i32>} : memref<4096xf32, #tpu.memory_space<vmem>>, vector<16xf32>,
        %get3A_394 = arith.index_cast %mul3A_385 : i32 to index
        %get3A_395 = tpu.vector_load %arg21[%get3A_394] {strides = array<i32>} : memref<4096xf32, #tpu.memory_space<vmem>>, vector<16xf32>,
        %mul3A_396 = arith.mulf %gather3A, %get3A_387 : vector<16xf32>
        %mul3A_397 = arith.mulf %gather3A_235, %get3A_389 : vector<16xf32>
        %add3A_398 = arith.addf %mul3A_396, %mul3A_397 : vector<16xf32>
        %mul3A_399 = arith.mulf %gather3A_236, %get3A_391 : vector<16xf32>
        %add3A_400 = arith.addf %add3A_398, %mul3A_399 : vector<16xf32>
        %add3A_401 = arith.addf %gather3A_237, %get3A_393 : vector<16xf32>
        %add3A_402 = arith.addf %add3A_401, %add3A_400 : vector<16xf32>
        %min3A = arith.minimumf %scan3A_376, %add3A_402 : vector<16xf32>
        %min3A_403 = arith.minimumf %get3A_395, %add3A_402 : vector<16xf32>
        %mul3A_404 = arith.mulf %gather3A_241, %get3A_387 : vector<16xf32>
        %mul3A_405 = arith.mulf %gather3A_242, %get3A_389 : vector<16xf32>
        %add3A_406 = arith.addf %mul3A_404, %mul3A_405 : vector<16xf32>
        %mul3A_407 = arith.mulf %gather3A_243, %get3A_391 : vector<16xf32>
        %add3A_408 = arith.addf %add3A_406, %mul3A_407 : vector<16xf32>
        %add3A_409 = arith.addf %gather3A_244, %get3A_393 : vector<16xf32>
        %add3A_410 = arith.addf %add3A_409, %add3A_408 : vector<16xf32>
        %min3A_411 = arith.minimumf %scan3A_377, %add3A_410 : vector<16xf32>
        %min3A_412 = arith.minimumf %min3A_403, %add3A_410 : vector<16xf32>
        %mul3A_413 = arith.mulf %gather3A_248, %get3A_387 : vector<16xf32>
        %mul3A_414 = arith.mulf %gather3A_249, %get3A_389 : vector<16xf32>
        %add3A_415 = arith.addf %mul3A_413, %mul3A_414 : vector<16xf32>
        %mul3A_416 = arith.mulf %gather3A_250, %get3A_391 : vector<16xf32>
        %add3A_417 = arith.addf %add3A_415, %mul3A_416 : vector<16xf32>
        %add3A_418 = arith.addf %gather3A_251, %get3A_393 : vector<16xf32>
        %add3A_419 = arith.addf %add3A_418, %add3A_417 : vector<16xf32>
        %min3A_420 = arith.minimumf %scan3A_378, %add3A_419 : vector<16xf32>
        %min3A_421 = arith.minimumf %min3A_412, %add3A_419 : vector<16xf32>
        %mul3A_422 = arith.mulf %gather3A_255, %get3A_387 : vector<16xf32>
        %mul3A_423 = arith.mulf %gather3A_256, %get3A_389 : vector<16xf32>
        %add3A_424 = arith.addf %mul3A_422, %mul3A_423 : vector<16xf32>
        %mul3A_425 = arith.mulf %gather3A_257, %get3A_391 : vector<16xf32>
        %add3A_426 = arith.addf %add3A_424, %mul3A_425 : vector<16xf32>
        %add3A_427 = arith.addf %gather3A_258, %get3A_393 : vector<16xf32>
        %add3A_428 = arith.addf %add3A_427, %add3A_426 : vector<16xf32>
        %min3A_429 = arith.minimumf %scan3A_379, %add3A_428 : vector<16xf32>
        %min3A_430 = arith.minimumf %min3A_421, %add3A_428 : vector<16xf32>
        %mul3A_431 = arith.mulf %gather3A_262, %get3A_387 : vector<16xf32>
        %mul3A_432 = arith.mulf %gather3A_263, %get3A_389 : vector<16xf32>
        %add3A_433 = arith.addf %mul3A_431, %mul3A_432 : vector<16xf32>
        %mul3A_434 = arith.mulf %gather3A_264, %get3A_391 : vector<16xf32>
        %add3A_435 = arith.addf %add3A_433, %mul3A_434 : vector<16xf32>
        %add3A_436 = arith.addf %gather3A_265, %get3A_393 : vector<16xf32>
        %add3A_437 = arith.addf %add3A_436, %add3A_435 : vector<16xf32>
        %min3A_438 = arith.minimumf %scan3A_380, %add3A_437 : vector<16xf32>
        %min3A_439 = arith.minimumf %min3A_430, %add3A_437 : vector<16xf32>
        %mul3A_440 = arith.mulf %gather3A_269, %get3A_387 : vector<16xf32>
        %mul3A_441 = arith.mulf %gather3A_270, %get3A_389 : vector<16xf32>
        %add3A_442 = arith.addf %mul3A_440, %mul3A_441 : vector<16xf32>
        %mul3A_443 = arith.mulf %gather3A_271, %get3A_391 : vector<16xf32>
        %add3A_444 = arith.addf %add3A_442, %mul3A_443 : vector<16xf32>
        %add3A_445 = arith.addf %gather3A_272, %get3A_393 : vector<16xf32>
        %add3A_446 = arith.addf %add3A_445, %add3A_444 : vector<16xf32>
        %min3A_447 = arith.minimumf %scan3A_381, %add3A_446 : vector<16xf32>
        %min3A_448 = arith.minimumf %min3A_439, %add3A_446 : vector<16xf32>
        %mul3A_449 = arith.mulf %gather3A_276, %get3A_387 : vector<16xf32>
        %mul3A_450 = arith.mulf %gather3A_277, %get3A_389 : vector<16xf32>
        %add3A_451 = arith.addf %mul3A_449, %mul3A_450 : vector<16xf32>
        %mul3A_452 = arith.mulf %gather3A_278, %get3A_391 : vector<16xf32>
        %add3A_453 = arith.addf %add3A_451, %mul3A_452 : vector<16xf32>
        %add3A_454 = arith.addf %gather3A_279, %get3A_393 : vector<16xf32>
        %add3A_455 = arith.addf %add3A_454, %add3A_453 : vector<16xf32>
        %min3A_456 = arith.minimumf %scan3A_382, %add3A_455 : vector<16xf32>
        %min3A_457 = arith.minimumf %min3A_448, %add3A_455 : vector<16xf32>
        %mul3A_458 = arith.mulf %gather3A_283, %get3A_387 : vector<16xf32>
        %mul3A_459 = arith.mulf %gather3A_284, %get3A_389 : vector<16xf32>
        %add3A_460 = arith.addf %mul3A_458, %mul3A_459 : vector<16xf32>
        %mul3A_461 = arith.mulf %gather3A_285, %get3A_391 : vector<16xf32>
        %add3A_462 = arith.addf %add3A_460, %mul3A_461 : vector<16xf32>
        %add3A_463 = arith.addf %gather3A_286, %get3A_393 : vector<16xf32>
        %add3A_464 = arith.addf %add3A_463, %add3A_462 : vector<16xf32>
        %min3A_465 = arith.minimumf %scan3A_383, %add3A_464 : vector<16xf32>
        %min3A_466 = arith.minimumf %min3A_457, %add3A_464 : vector<16xf32>
        %swap3A_467 = arith.index_cast %mul3A_385 : i32 to index
        %swap3A_468 = tpu.vector_load %arg21[%swap3A_467] {strides = array<i32>} : memref<4096xf32, #tpu.memory_space<vmem>>, vector<16xf32>,
        tpu.vector_store %arg21[%swap3A_467], %min3A_466 {strides = array<i32>} : memref<4096xf32, #tpu.memory_space<vmem>>, vector<16xf32>,
        scf.yield %min3A, %min3A_411, %min3A_420, %min3A_429, %min3A_438, %min3A_447, %min3A_456, %min3A_465 : vector<16xf32>, vector<16xf32>, vector<16xf32>, vector<16xf32>, vector<16xf32>, vector<16xf32>, vector<16xf32>, vector<16xf32>
      }
      %scan3A_308 = arith.constant 256 : i32
      %iota3A = tpu.iota {dimensions = array<i32: 0>} : vector<16xi32>
      %eq3A_309 = arith.constant 0 : i32
      %eq3A_310 = vector.broadcast %eq3A_309 : i32 to vector<16xi32>
      %eq3A_311 = arith.cmpi eq, %iota3A, %eq3A_310 : vector<16xi32>
      %reduce_min3A = arith.constant true
      %reduce_min3A_312 = vector.broadcast %reduce_min3A : i1 to vector<16xi1>
      %reduce_min3A_313 = tpu.scan <min>, %scan3A_307#0 masked %reduce_min3A_312 : vector<16xf32>, vector<16xi1> -> vector<16xf32>
      %reduce_min3A_314 = vector.extract %reduce_min3A_313[15] : f32 from vector<16xf32>
      %add3A_315 = arith.constant 0 : i32
      %add3A_316 = arith.addi %mul3A_231, %add3A_315 : i32
      %broadcast_in_dim3A_317 = vector.broadcast %add3A_316 : i32 to vector<16xi32>
      %broadcast_in_dim3A_318 = vector.broadcast %reduce_min3A_314 : f32 to vector<16xf32>
      tpu.vector_store_idx %arg22[%broadcast_in_dim3A_317], %broadcast_in_dim3A_318 masked %eq3A_311 : memref<88xf32, #tpu.memory_space<vmem>>[vector<16xi32>], vector<16xf32>, vector<16xi1>
      %reduce_min3A_319 = arith.constant true
      %reduce_min3A_320 = vector.broadcast %reduce_min3A_319 : i1 to vector<16xi1>
      %reduce_min3A_321 = tpu.scan <min>, %scan3A_307#1 masked %reduce_min3A_320 : vector<16xf32>, vector<16xi1> -> vector<16xf32>
      %reduce_min3A_322 = vector.extract %reduce_min3A_321[15] : f32 from vector<16xf32>
      %add3A_323 = arith.constant 1 : i32
      %add3A_324 = arith.addi %mul3A_231, %add3A_323 : i32
      %broadcast_in_dim3A_325 = vector.broadcast %add3A_324 : i32 to vector<16xi32>
      %broadcast_in_dim3A_326 = vector.broadcast %reduce_min3A_322 : f32 to vector<16xf32>
      tpu.vector_store_idx %arg22[%broadcast_in_dim3A_325], %broadcast_in_dim3A_326 masked %eq3A_311 : memref<88xf32, #tpu.memory_space<vmem>>[vector<16xi32>], vector<16xf32>, vector<16xi1>
      %reduce_min3A_327 = arith.constant true
      %reduce_min3A_328 = vector.broadcast %reduce_min3A_327 : i1 to vector<16xi1>
      %reduce_min3A_329 = tpu.scan <min>, %scan3A_307#2 masked %reduce_min3A_328 : vector<16xf32>, vector<16xi1> -> vector<16xf32>
      %reduce_min3A_330 = vector.extract %reduce_min3A_329[15] : f32 from vector<16xf32>
      %add3A_331 = arith.constant 2 : i32
      %add3A_332 = arith.addi %mul3A_231, %add3A_331 : i32
      %broadcast_in_dim3A_333 = vector.broadcast %add3A_332 : i32 to vector<16xi32>
      %broadcast_in_dim3A_334 = vector.broadcast %reduce_min3A_330 : f32 to vector<16xf32>
      tpu.vector_store_idx %arg22[%broadcast_in_dim3A_333], %broadcast_in_dim3A_334 masked %eq3A_311 : memref<88xf32, #tpu.memory_space<vmem>>[vector<16xi32>], vector<16xf32>, vector<16xi1>
      %reduce_min3A_335 = arith.constant true
      %reduce_min3A_336 = vector.broadcast %reduce_min3A_335 : i1 to vector<16xi1>
      %reduce_min3A_337 = tpu.scan <min>, %scan3A_307#3 masked %reduce_min3A_336 : vector<16xf32>, vector<16xi1> -> vector<16xf32>
      %reduce_min3A_338 = vector.extract %reduce_min3A_337[15] : f32 from vector<16xf32>
      %add3A_339 = arith.constant 3 : i32
      %add3A_340 = arith.addi %mul3A_231, %add3A_339 : i32
      %broadcast_in_dim3A_341 = vector.broadcast %add3A_340 : i32 to vector<16xi32>
      %broadcast_in_dim3A_342 = vector.broadcast %reduce_min3A_338 : f32 to vector<16xf32>
      tpu.vector_store_idx %arg22[%broadcast_in_dim3A_341], %broadcast_in_dim3A_342 masked %eq3A_311 : memref<88xf32, #tpu.memory_space<vmem>>[vector<16xi32>], vector<16xf32>, vector<16xi1>
      %reduce_min3A_343 = arith.constant true
      %reduce_min3A_344 = vector.broadcast %reduce_min3A_343 : i1 to vector<16xi1>
      %reduce_min3A_345 = tpu.scan <min>, %scan3A_307#4 masked %reduce_min3A_344 : vector<16xf32>, vector<16xi1> -> vector<16xf32>
      %reduce_min3A_346 = vector.extract %reduce_min3A_345[15] : f32 from vector<16xf32>
      %add3A_347 = arith.constant 4 : i32
      %add3A_348 = arith.addi %mul3A_231, %add3A_347 : i32
      %broadcast_in_dim3A_349 = vector.broadcast %add3A_348 : i32 to vector<16xi32>
      %broadcast_in_dim3A_350 = vector.broadcast %reduce_min3A_346 : f32 to vector<16xf32>
      tpu.vector_store_idx %arg22[%broadcast_in_dim3A_349], %broadcast_in_dim3A_350 masked %eq3A_311 : memref<88xf32, #tpu.memory_space<vmem>>[vector<16xi32>], vector<16xf32>, vector<16xi1>
      %reduce_min3A_351 = arith.constant true
      %reduce_min3A_352 = vector.broadcast %reduce_min3A_351 : i1 to vector<16xi1>
      %reduce_min3A_353 = tpu.scan <min>, %scan3A_307#5 masked %reduce_min3A_352 : vector<16xf32>, vector<16xi1> -> vector<16xf32>
      %reduce_min3A_354 = vector.extract %reduce_min3A_353[15] : f32 from vector<16xf32>
      %add3A_355 = arith.constant 5 : i32
      %add3A_356 = arith.addi %mul3A_231, %add3A_355 : i32
      %broadcast_in_dim3A_357 = vector.broadcast %add3A_356 : i32 to vector<16xi32>
      %broadcast_in_dim3A_358 = vector.broadcast %reduce_min3A_354 : f32 to vector<16xf32>
      tpu.vector_store_idx %arg22[%broadcast_in_dim3A_357], %broadcast_in_dim3A_358 masked %eq3A_311 : memref<88xf32, #tpu.memory_space<vmem>>[vector<16xi32>], vector<16xf32>, vector<16xi1>
      %reduce_min3A_359 = arith.constant true
      %reduce_min3A_360 = vector.broadcast %reduce_min3A_359 : i1 to vector<16xi1>
      %reduce_min3A_361 = tpu.scan <min>, %scan3A_307#6 masked %reduce_min3A_360 : vector<16xf32>, vector<16xi1> -> vector<16xf32>
      %reduce_min3A_362 = vector.extract %reduce_min3A_361[15] : f32 from vector<16xf32>
      %add3A_363 = arith.constant 6 : i32
      %add3A_364 = arith.addi %mul3A_231, %add3A_363 : i32
      %broadcast_in_dim3A_365 = vector.broadcast %add3A_364 : i32 to vector<16xi32>
      %broadcast_in_dim3A_366 = vector.broadcast %reduce_min3A_362 : f32 to vector<16xf32>
      tpu.vector_store_idx %arg22[%broadcast_in_dim3A_365], %broadcast_in_dim3A_366 masked %eq3A_311 : memref<88xf32, #tpu.memory_space<vmem>>[vector<16xi32>], vector<16xf32>, vector<16xi1>
      %reduce_min3A_367 = arith.constant true
      %reduce_min3A_368 = vector.broadcast %reduce_min3A_367 : i1 to vector<16xi1>
      %reduce_min3A_369 = tpu.scan <min>, %scan3A_307#7 masked %reduce_min3A_368 : vector<16xf32>, vector<16xi1> -> vector<16xf32>
      %reduce_min3A_370 = vector.extract %reduce_min3A_369[15] : f32 from vector<16xf32>
      %add3A_371 = arith.constant 7 : i32
      %add3A_372 = arith.addi %mul3A_231, %add3A_371 : i32
      %broadcast_in_dim3A_373 = vector.broadcast %add3A_372 : i32 to vector<16xi32>
      %broadcast_in_dim3A_374 = vector.broadcast %reduce_min3A_370 : f32 to vector<16xf32>
      tpu.vector_store_idx %arg22[%broadcast_in_dim3A_373], %broadcast_in_dim3A_374 masked %eq3A_311 : memref<88xf32, #tpu.memory_space<vmem>>[vector<16xi32>], vector<16xf32>, vector<16xi1>
    }
    %scan3A_120 = arith.constant 11 : i32
    "tpu.region"() ({
      %run_scoped3A_229 = tpu.sem_alloc : memref<!tpu.dma_semaphore, #tpu.memory_space<semaphore_mem>>
      %dma_start3A = arith.constant 0 : i32
      %dma_start3A_230 = tpu.memref_slice %arg26[%arg1, %dma_start3A] : memref<16x4096xf32, #tpu.memory_space<vmem_shared>> -> memref<1x4096xf32, #tpu.memory_space<vmem_shared>>
      %dma_start3A_231 = tpu.memref_squeeze %dma_start3A_230 : memref<1x4096xf32, #tpu.memory_space<vmem_shared>> -> memref<4096xf32, #tpu.memory_space<vmem_shared>>
      %dma_start3A_232 = arith.constant 0 : i32
      %dma_start3A_233 = tpu.memref_slice %arg26[%arg1, %dma_start3A_232] : memref<16x4096xf32, #tpu.memory_space<vmem_shared>> -> memref<1x4096xf32, #tpu.memory_space<vmem_shared>>
      %dma_start3A_234 = tpu.memref_squeeze %dma_start3A_233 : memref<1x4096xf32, #tpu.memory_space<vmem_shared>> -> memref<4096xf32, #tpu.memory_space<vmem_shared>>
      tpu.enqueue_dma source(%arg21 : memref<4096xf32, #tpu.memory_space<vmem>>) target(%dma_start3A_234 : memref<4096xf32, #tpu.memory_space<vmem_shared>>) target_semaphore(%run_scoped3A_229 : memref<!tpu.dma_semaphore, #tpu.memory_space<semaphore_mem>>)
      %dma_wait3A = arith.constant 0 : i32
      %dma_wait3A_235 = tpu.memref_slice %arg26[%arg1, %dma_wait3A] : memref<16x4096xf32, #tpu.memory_space<vmem_shared>> -> memref<1x4096xf32, #tpu.memory_space<vmem_shared>>
      %dma_wait3A_236 = tpu.memref_squeeze %dma_wait3A_235 : memref<1x4096xf32, #tpu.memory_space<vmem_shared>> -> memref<4096xf32, #tpu.memory_space<vmem_shared>>
      %dma_wait3A_237 = arith.constant 0 : i32
      %dma_wait3A_238 = tpu.memref_slice %arg26[%arg1, %dma_wait3A_237] : memref<16x4096xf32, #tpu.memory_space<vmem_shared>> -> memref<1x4096xf32, #tpu.memory_space<vmem_shared>>
      %dma_wait3A_239 = tpu.memref_squeeze %dma_wait3A_238 : memref<1x4096xf32, #tpu.memory_space<vmem_shared>> -> memref<4096xf32, #tpu.memory_space<vmem_shared>>
      tpu.wait_dma2 semaphore(%run_scoped3A_229 : memref<!tpu.dma_semaphore, #tpu.memory_space<semaphore_mem>>) src(%arg21 : memref<4096xf32, #tpu.memory_space<vmem>>) dst(%dma_wait3A_239 : memref<4096xf32, #tpu.memory_space<vmem_shared>>)
      tpu.yield
    }) : () -> ()
    %barrier3A = arith.constant 0 : index
    tpu.barrier barrier_id(%barrier3A)
    %jit3A_121 = arith.constant 8 : i32
    %eq3A_122 = arith.constant 0 : i32
    %eq3A_123 = arith.cmpi eq, %jit3A_121, %eq3A_122 : i32
    %jit3A_124 = arith.constant 1 : i32
    %select_n3A_125 = arith.select %eq3A_123, %jit3A_124, %jit3A_121 : i32
    %rem3A_126 = arith.remsi %arg1, %select_n3A_125 : i32
    %ne3A_127 = arith.constant 0 : i32
    %ne3A_128 = arith.cmpi ne, %rem3A_126, %ne3A_127 : i32
    %lt3A_129 = arith.constant 0 : i32
    %lt3A_130 = arith.cmpi slt, %rem3A_126, %lt3A_129 : i32
    %lt3A_131 = arith.constant 0 : i32
    %lt3A_132 = arith.cmpi slt, %select_n3A_125, %lt3A_131 : i32
    %ne3A_133 = arith.xori %lt3A_130, %lt3A_132 : i1
    %and3A_134 = arith.andi %ne3A_133, %ne3A_128 : i1
    %add3A_135 = arith.addi %rem3A_126, %select_n3A_125 : i32
    %select_n3A_136 = arith.select %and3A_134, %add3A_135, %rem3A_126 : i32
    %mul3A_137 = arith.constant 512 : i32
    %mul3A_138 = arith.muli %select_n3A_136, %mul3A_137 : i32
    %jit3A_139 = arith.constant 8 : i32
    %div3A_140 = arith.divsi %arg1, %jit3A_139 : i32
    %sign3A_141 = arith.constant 0 : i32
    %sign3A_142 = arith.cmpi sgt, %arg1, %sign3A_141 : i32
    %sign3A_143 = arith.extui %sign3A_142 : i1 to i32
    %sign3A_144 = arith.constant 0 : i32
    %sign3A_145 = arith.cmpi slt, %arg1, %sign3A_144 : i32
    %sign3A_146 = arith.extui %sign3A_145 : i1 to i32
    %sign3A_147 = arith.subi %sign3A_143, %sign3A_146 : i32
    %sign3A_148 = arith.constant 0 : i32
    %sign3A_149 = arith.cmpi sgt, %jit3A_139, %sign3A_148 : i32
    %sign3A_150 = arith.extui %sign3A_149 : i1 to i32
    %sign3A_151 = arith.constant 0 : i32
    %sign3A_152 = arith.cmpi slt, %jit3A_139, %sign3A_151 : i32
    %sign3A_153 = arith.extui %sign3A_152 : i1 to i32
    %sign3A_154 = arith.subi %sign3A_150, %sign3A_153 : i32
    %ne3A_155 = arith.cmpi ne, %sign3A_147, %sign3A_154 : i32
    %rem3A_156 = arith.remsi %arg1, %jit3A_139 : i32
    %ne3A_157 = arith.constant 0 : i32
    %ne3A_158 = arith.cmpi ne, %rem3A_156, %ne3A_157 : i32
    %and3A_159 = arith.andi %ne3A_155, %ne3A_158 : i1
    %sub3A_160 = arith.constant 1 : i32
    %sub3A_161 = arith.subi %div3A_140, %sub3A_160 : i32
    %select_n3A_162 = arith.select %and3A_159, %sub3A_161, %div3A_140 : i32
    %mul3A_163 = arith.constant 8 : i32
    %mul3A_164 = arith.muli %select_n3A_162, %mul3A_163 : i32
    %scan3A_165 = arith.constant 0 : i32
    %scan3A_166 = arith.constant 0 : i32
    %scan3A_167 = arith.constant 32 : i32
    %scan3A_168 = arith.addi %scan3A_166, %scan3A_167 : i32
    %scan3A_169 = arith.constant 4 : i32
    scf.for %scan3A_229 = %scan3A_166 to %scan3A_168 step %scan3A_169  : i32 {
      %broadcast_in_dim3A_230 = arith.constant 3.000000e+38 : f32
      %broadcast_in_dim3A_231 = vector.broadcast %broadcast_in_dim3A_230 : f32 to vector<16xf32>
      %mul3A_232 = arith.constant 16 : i32
      %mul3A_233 = arith.muli %scan3A_229, %mul3A_232 : i32
      %swap3A_234 = arith.index_cast %mul3A_233 : i32 to index
      %swap3A_235 = tpu.vector_load %arg23[%swap3A_234] {strides = array<i32>} : memref<512xf32, #tpu.memory_space<vmem>>, vector<16xf32>,
      tpu.vector_store %arg23[%swap3A_234], %broadcast_in_dim3A_231 {strides = array<i32>} : memref<512xf32, #tpu.memory_space<vmem>>, vector<16xf32>,
      %scan3A_236 = arith.constant 1 : i32
      %scan3A_237 = arith.addi %scan3A_229, %scan3A_236 : i32
      %broadcast_in_dim3A_238 = arith.constant 3.000000e+38 : f32
      %broadcast_in_dim3A_239 = vector.broadcast %broadcast_in_dim3A_238 : f32 to vector<16xf32>
      %mul3A_240 = arith.constant 16 : i32
      %mul3A_241 = arith.muli %scan3A_237, %mul3A_240 : i32
      %swap3A_242 = arith.index_cast %mul3A_241 : i32 to index
      %swap3A_243 = tpu.vector_load %arg23[%swap3A_242] {strides = array<i32>} : memref<512xf32, #tpu.memory_space<vmem>>, vector<16xf32>,
      tpu.vector_store %arg23[%swap3A_242], %broadcast_in_dim3A_239 {strides = array<i32>} : memref<512xf32, #tpu.memory_space<vmem>>, vector<16xf32>,
      %scan3A_244 = arith.constant 2 : i32
      %scan3A_245 = arith.addi %scan3A_229, %scan3A_244 : i32
      %broadcast_in_dim3A_246 = arith.constant 3.000000e+38 : f32
      %broadcast_in_dim3A_247 = vector.broadcast %broadcast_in_dim3A_246 : f32 to vector<16xf32>
      %mul3A_248 = arith.constant 16 : i32
      %mul3A_249 = arith.muli %scan3A_245, %mul3A_248 : i32
      %swap3A_250 = arith.index_cast %mul3A_249 : i32 to index
      %swap3A_251 = tpu.vector_load %arg23[%swap3A_250] {strides = array<i32>} : memref<512xf32, #tpu.memory_space<vmem>>, vector<16xf32>,
      tpu.vector_store %arg23[%swap3A_250], %broadcast_in_dim3A_247 {strides = array<i32>} : memref<512xf32, #tpu.memory_space<vmem>>, vector<16xf32>,
      %scan3A_252 = arith.constant 3 : i32
      %scan3A_253 = arith.addi %scan3A_229, %scan3A_252 : i32
      %broadcast_in_dim3A_254 = arith.constant 3.000000e+38 : f32
      %broadcast_in_dim3A_255 = vector.broadcast %broadcast_in_dim3A_254 : f32 to vector<16xf32>
      %mul3A_256 = arith.constant 16 : i32
      %mul3A_257 = arith.muli %scan3A_253, %mul3A_256 : i32
      %swap3A_258 = arith.index_cast %mul3A_257 : i32 to index
      %swap3A_259 = tpu.vector_load %arg23[%swap3A_258] {strides = array<i32>} : memref<512xf32, #tpu.memory_space<vmem>>, vector<16xf32>,
      tpu.vector_store %arg23[%swap3A_258], %broadcast_in_dim3A_255 {strides = array<i32>} : memref<512xf32, #tpu.memory_space<vmem>>, vector<16xf32>,
    }
    %scan3A_170 = arith.constant 32 : i32
    %scan3A_171 = arith.constant 0 : i32
    %scan3A_172 = arith.constant 0 : i32
    %scan3A_173 = arith.constant 8 : i32
    %scan3A_174 = arith.addi %scan3A_172, %scan3A_173 : i32
    %scan3A_175 = arith.constant 1 : i32
    scf.for %scan3A_229 = %scan3A_172 to %scan3A_174 step %scan3A_175  : i32 {
      %add3A_230 = arith.addi %mul3A_164, %scan3A_229 : i32
      "tpu.region"() ({
        %run_scoped3A_237 = tpu.sem_alloc : memref<!tpu.dma_semaphore, #tpu.memory_space<semaphore_mem>>
        %dma_start3A = tpu.memref_slice %arg26[%add3A_230, %mul3A_138] : memref<16x4096xf32, #tpu.memory_space<vmem_shared>> -> memref<1x512xf32, #tpu.memory_space<vmem_shared>>
        %dma_start3A_238 = tpu.memref_squeeze %dma_start3A : memref<1x512xf32, #tpu.memory_space<vmem_shared>> -> memref<512xf32, #tpu.memory_space<vmem_shared>>
        %dma_start3A_239 = tpu.memref_slice %arg26[%add3A_230, %mul3A_138] : memref<16x4096xf32, #tpu.memory_space<vmem_shared>> -> memref<1x512xf32, #tpu.memory_space<vmem_shared>>
        %dma_start3A_240 = tpu.memref_squeeze %dma_start3A_239 : memref<1x512xf32, #tpu.memory_space<vmem_shared>> -> memref<512xf32, #tpu.memory_space<vmem_shared>>
        tpu.enqueue_dma source(%dma_start3A_240 : memref<512xf32, #tpu.memory_space<vmem_shared>>) target(%arg24 : memref<512xf32, #tpu.memory_space<vmem>>) target_semaphore(%run_scoped3A_237 : memref<!tpu.dma_semaphore, #tpu.memory_space<semaphore_mem>>)
        %dma_wait3A = tpu.memref_slice %arg26[%add3A_230, %mul3A_138] : memref<16x4096xf32, #tpu.memory_space<vmem_shared>> -> memref<1x512xf32, #tpu.memory_space<vmem_shared>>
        %dma_wait3A_241 = tpu.memref_squeeze %dma_wait3A : memref<1x512xf32, #tpu.memory_space<vmem_shared>> -> memref<512xf32, #tpu.memory_space<vmem_shared>>
        %dma_wait3A_242 = tpu.memref_slice %arg26[%add3A_230, %mul3A_138] : memref<16x4096xf32, #tpu.memory_space<vmem_shared>> -> memref<1x512xf32, #tpu.memory_space<vmem_shared>>
        %dma_wait3A_243 = tpu.memref_squeeze %dma_wait3A_242 : memref<1x512xf32, #tpu.memory_space<vmem_shared>> -> memref<512xf32, #tpu.memory_space<vmem_shared>>
        tpu.wait_dma2 semaphore(%run_scoped3A_237 : memref<!tpu.dma_semaphore, #tpu.memory_space<semaphore_mem>>) src(%dma_wait3A_243 : memref<512xf32, #tpu.memory_space<vmem_shared>>) dst(%arg24 : memref<512xf32, #tpu.memory_space<vmem>>)
        tpu.yield
      }) : () -> ()
      %scan3A_231 = arith.constant 0 : i32
      %scan3A_232 = arith.constant 0 : i32
      %scan3A_233 = arith.constant 32 : i32
      %scan3A_234 = arith.addi %scan3A_232, %scan3A_233 : i32
      %scan3A_235 = arith.constant 4 : i32
      scf.for %scan3A_237 = %scan3A_232 to %scan3A_234 step %scan3A_235  : i32 {
        %mul3A_238 = arith.constant 16 : i32
        %mul3A_239 = arith.muli %scan3A_237, %mul3A_238 : i32
        %get3A_240 = arith.index_cast %mul3A_239 : i32 to index
        %get3A_241 = tpu.vector_load %arg23[%get3A_240] {strides = array<i32>} : memref<512xf32, #tpu.memory_space<vmem>>, vector<16xf32>,
        %get3A_242 = arith.index_cast %mul3A_239 : i32 to index
        %get3A_243 = tpu.vector_load %arg24[%get3A_242] {strides = array<i32>} : memref<512xf32, #tpu.memory_space<vmem>>, vector<16xf32>,
        %min3A = arith.minimumf %get3A_241, %get3A_243 : vector<16xf32>
        %swap3A_244 = arith.index_cast %mul3A_239 : i32 to index
        %swap3A_245 = tpu.vector_load %arg23[%swap3A_244] {strides = array<i32>} : memref<512xf32, #tpu.memory_space<vmem>>, vector<16xf32>,
        tpu.vector_store %arg23[%swap3A_244], %min3A {strides = array<i32>} : memref<512xf32, #tpu.memory_space<vmem>>, vector<16xf32>,
        %scan3A_246 = arith.constant 1 : i32
        %scan3A_247 = arith.addi %scan3A_237, %scan3A_246 : i32
        %mul3A_248 = arith.constant 16 : i32
        %mul3A_249 = arith.muli %scan3A_247, %mul3A_248 : i32
        %get3A_250 = arith.index_cast %mul3A_249 : i32 to index
        %get3A_251 = tpu.vector_load %arg23[%get3A_250] {strides = array<i32>} : memref<512xf32, #tpu.memory_space<vmem>>, vector<16xf32>,
        %get3A_252 = arith.index_cast %mul3A_249 : i32 to index
        %get3A_253 = tpu.vector_load %arg24[%get3A_252] {strides = array<i32>} : memref<512xf32, #tpu.memory_space<vmem>>, vector<16xf32>,
        %min3A_254 = arith.minimumf %get3A_251, %get3A_253 : vector<16xf32>
        %swap3A_255 = arith.index_cast %mul3A_249 : i32 to index
        %swap3A_256 = tpu.vector_load %arg23[%swap3A_255] {strides = array<i32>} : memref<512xf32, #tpu.memory_space<vmem>>, vector<16xf32>,
        tpu.vector_store %arg23[%swap3A_255], %min3A_254 {strides = array<i32>} : memref<512xf32, #tpu.memory_space<vmem>>, vector<16xf32>,
        %scan3A_257 = arith.constant 2 : i32
        %scan3A_258 = arith.addi %scan3A_237, %scan3A_257 : i32
        %mul3A_259 = arith.constant 16 : i32
        %mul3A_260 = arith.muli %scan3A_258, %mul3A_259 : i32
        %get3A_261 = arith.index_cast %mul3A_260 : i32 to index
        %get3A_262 = tpu.vector_load %arg23[%get3A_261] {strides = array<i32>} : memref<512xf32, #tpu.memory_space<vmem>>, vector<16xf32>,
        %get3A_263 = arith.index_cast %mul3A_260 : i32 to index
        %get3A_264 = tpu.vector_load %arg24[%get3A_263] {strides = array<i32>} : memref<512xf32, #tpu.memory_space<vmem>>, vector<16xf32>,
        %min3A_265 = arith.minimumf %get3A_262, %get3A_264 : vector<16xf32>
        %swap3A_266 = arith.index_cast %mul3A_260 : i32 to index
        %swap3A_267 = tpu.vector_load %arg23[%swap3A_266] {strides = array<i32>} : memref<512xf32, #tpu.memory_space<vmem>>, vector<16xf32>,
        tpu.vector_store %arg23[%swap3A_266], %min3A_265 {strides = array<i32>} : memref<512xf32, #tpu.memory_space<vmem>>, vector<16xf32>,
        %scan3A_268 = arith.constant 3 : i32
        %scan3A_269 = arith.addi %scan3A_237, %scan3A_268 : i32
        %mul3A_270 = arith.constant 16 : i32
        %mul3A_271 = arith.muli %scan3A_269, %mul3A_270 : i32
        %get3A_272 = arith.index_cast %mul3A_271 : i32 to index
        %get3A_273 = tpu.vector_load %arg23[%get3A_272] {strides = array<i32>} : memref<512xf32, #tpu.memory_space<vmem>>, vector<16xf32>,
        %get3A_274 = arith.index_cast %mul3A_271 : i32 to index
        %get3A_275 = tpu.vector_load %arg24[%get3A_274] {strides = array<i32>} : memref<512xf32, #tpu.memory_space<vmem>>, vector<16xf32>,
        %min3A_276 = arith.minimumf %get3A_273, %get3A_275 : vector<16xf32>
        %swap3A_277 = arith.index_cast %mul3A_271 : i32 to index
        %swap3A_278 = tpu.vector_load %arg23[%swap3A_277] {strides = array<i32>} : memref<512xf32, #tpu.memory_space<vmem>>, vector<16xf32>,
        tpu.vector_store %arg23[%swap3A_277], %min3A_276 {strides = array<i32>} : memref<512xf32, #tpu.memory_space<vmem>>, vector<16xf32>,
      }
      %scan3A_236 = arith.constant 32 : i32
    }
    %scan3A_176 = arith.constant 8 : i32
    %broadcast_in_dim3A = arith.constant 0.000000e+00 : f32
    %broadcast_in_dim3A_177 = vector.broadcast %broadcast_in_dim3A : f32 to vector<16xf32>
    %scan3A_178 = arith.constant 0 : i32
    %scan3A_179 = arith.constant 4 : i32
    %scan3A_180 = arith.addi %scan3A_178, %scan3A_179 : i32
    %scan3A_181 = arith.constant 2 : i32
    %scan3A_182 = scf.for %scan3A_229 = %scan3A_178 to %scan3A_180 step %scan3A_181 iter_args(%scan3A_230 = %broadcast_in_dim3A_177) -> (vector<16xf32>)  : i32 {
      %mul3A_231 = arith.constant 16 : i32
      %mul3A_232 = arith.muli %scan3A_229, %mul3A_231 : i32
      %get3A_233 = arith.index_cast %mul3A_232 : i32 to index
      %get3A_234 = tpu.vector_load %arg22[%get3A_233] {strides = array<i32>} : memref<88xf32, #tpu.memory_space<vmem>>, vector<16xf32>,
      %max3A_235 = arith.constant 0.000000e+00 : f32
      %max3A_236 = vector.broadcast %max3A_235 : f32 to vector<16xf32>
      %max3A_237 = arith.maximumf %get3A_234, %max3A_236 : vector<16xf32>
      %bitcast3A_238 = vector.bitcast %max3A_237 : vector<16xf32> to vector<16xi32>
      %shift_right_arithmetic3A_239 = arith.constant 1 : i32
      %shift_right_arithmetic3A_240 = vector.broadcast %shift_right_arithmetic3A_239 : i32 to vector<16xi32>
      %shift_right_arithmetic3A_241 = arith.shrsi %bitcast3A_238, %shift_right_arithmetic3A_240 : vector<16xi32>
      %sub3A_242 = arith.constant 1597463007 : i32
      %sub3A_243 = vector.broadcast %sub3A_242 : i32 to vector<16xi32>
      %sub3A_244 = arith.subi %sub3A_243, %shift_right_arithmetic3A_241 : vector<16xi32>
      %bitcast3A_245 = vector.bitcast %sub3A_244 : vector<16xi32> to vector<16xf32>
      %mul3A_246 = arith.constant 5.000000e-01 : f32
      %mul3A_247 = vector.broadcast %mul3A_246 : f32 to vector<16xf32>
      %mul3A_248 = arith.mulf %mul3A_247, %max3A_237 : vector<16xf32>
      %mul3A_249 = arith.mulf %mul3A_248, %bitcast3A_245 : vector<16xf32>
      %mul3A_250 = arith.mulf %mul3A_249, %bitcast3A_245 : vector<16xf32>
      %sub3A_251 = arith.constant 1.500000e+00 : f32
      %sub3A_252 = vector.broadcast %sub3A_251 : f32 to vector<16xf32>
      %sub3A_253 = arith.subf %sub3A_252, %mul3A_250 : vector<16xf32>
      %mul3A_254 = arith.mulf %bitcast3A_245, %sub3A_253 : vector<16xf32>
      %mul3A_255 = arith.mulf %mul3A_248, %mul3A_254 : vector<16xf32>
      %mul3A_256 = arith.mulf %mul3A_255, %mul3A_254 : vector<16xf32>
      %sub3A_257 = arith.constant 1.500000e+00 : f32
      %sub3A_258 = vector.broadcast %sub3A_257 : f32 to vector<16xf32>
      %sub3A_259 = arith.subf %sub3A_258, %mul3A_256 : vector<16xf32>
      %mul3A_260 = arith.mulf %mul3A_254, %sub3A_259 : vector<16xf32>
      %mul3A_261 = arith.mulf %mul3A_248, %mul3A_260 : vector<16xf32>
      %mul3A_262 = arith.mulf %mul3A_261, %mul3A_260 : vector<16xf32>
      %sub3A_263 = arith.constant 1.500000e+00 : f32
      %sub3A_264 = vector.broadcast %sub3A_263 : f32 to vector<16xf32>
      %sub3A_265 = arith.subf %sub3A_264, %mul3A_262 : vector<16xf32>
      %mul3A_266 = arith.mulf %mul3A_260, %sub3A_265 : vector<16xf32>
      %mul3A_267 = arith.mulf %max3A_237, %mul3A_266 : vector<16xf32>
      %add3A_268 = arith.addf %scan3A_230, %mul3A_267 : vector<16xf32>
      %scan3A_269 = arith.constant 1 : i32
      %scan3A_270 = arith.addi %scan3A_229, %scan3A_269 : i32
      %mul3A_271 = arith.constant 16 : i32
      %mul3A_272 = arith.muli %scan3A_270, %mul3A_271 : i32
      %get3A_273 = arith.index_cast %mul3A_272 : i32 to index
      %get3A_274 = tpu.vector_load %arg22[%get3A_273] {strides = array<i32>} : memref<88xf32, #tpu.memory_space<vmem>>, vector<16xf32>,
      %max3A_275 = arith.constant 0.000000e+00 : f32
      %max3A_276 = vector.broadcast %max3A_275 : f32 to vector<16xf32>
      %max3A_277 = arith.maximumf %get3A_274, %max3A_276 : vector<16xf32>
      %bitcast3A_278 = vector.bitcast %max3A_277 : vector<16xf32> to vector<16xi32>
      %shift_right_arithmetic3A_279 = arith.constant 1 : i32
      %shift_right_arithmetic3A_280 = vector.broadcast %shift_right_arithmetic3A_279 : i32 to vector<16xi32>
      %shift_right_arithmetic3A_281 = arith.shrsi %bitcast3A_278, %shift_right_arithmetic3A_280 : vector<16xi32>
      %sub3A_282 = arith.constant 1597463007 : i32
      %sub3A_283 = vector.broadcast %sub3A_282 : i32 to vector<16xi32>
      %sub3A_284 = arith.subi %sub3A_283, %shift_right_arithmetic3A_281 : vector<16xi32>
      %bitcast3A_285 = vector.bitcast %sub3A_284 : vector<16xi32> to vector<16xf32>
      %mul3A_286 = arith.constant 5.000000e-01 : f32
      %mul3A_287 = vector.broadcast %mul3A_286 : f32 to vector<16xf32>
      %mul3A_288 = arith.mulf %mul3A_287, %max3A_277 : vector<16xf32>
      %mul3A_289 = arith.mulf %mul3A_288, %bitcast3A_285 : vector<16xf32>
      %mul3A_290 = arith.mulf %mul3A_289, %bitcast3A_285 : vector<16xf32>
      %sub3A_291 = arith.constant 1.500000e+00 : f32
      %sub3A_292 = vector.broadcast %sub3A_291 : f32 to vector<16xf32>
      %sub3A_293 = arith.subf %sub3A_292, %mul3A_290 : vector<16xf32>
      %mul3A_294 = arith.mulf %bitcast3A_285, %sub3A_293 : vector<16xf32>
      %mul3A_295 = arith.mulf %mul3A_288, %mul3A_294 : vector<16xf32>
      %mul3A_296 = arith.mulf %mul3A_295, %mul3A_294 : vector<16xf32>
      %sub3A_297 = arith.constant 1.500000e+00 : f32
      %sub3A_298 = vector.broadcast %sub3A_297 : f32 to vector<16xf32>
      %sub3A_299 = arith.subf %sub3A_298, %mul3A_296 : vector<16xf32>
      %mul3A_300 = arith.mulf %mul3A_294, %sub3A_299 : vector<16xf32>
      %mul3A_301 = arith.mulf %mul3A_288, %mul3A_300 : vector<16xf32>
      %mul3A_302 = arith.mulf %mul3A_301, %mul3A_300 : vector<16xf32>
      %sub3A_303 = arith.constant 1.500000e+00 : f32
      %sub3A_304 = vector.broadcast %sub3A_303 : f32 to vector<16xf32>
      %sub3A_305 = arith.subf %sub3A_304, %mul3A_302 : vector<16xf32>
      %mul3A_306 = arith.mulf %mul3A_300, %sub3A_305 : vector<16xf32>
      %mul3A_307 = arith.mulf %max3A_277, %mul3A_306 : vector<16xf32>
      %add3A_308 = arith.addf %add3A_268, %mul3A_307 : vector<16xf32>
      scf.yield %add3A_308 : vector<16xf32>
    }
    %scan3A_183 = arith.constant 4 : i32
    %scan3A_184 = arith.addi %scan3A_178, %scan3A_183 : i32
    %mul3A_185 = arith.constant 16 : i32
    %mul3A_186 = arith.muli %scan3A_184, %mul3A_185 : i32
    %get3A_187 = arith.index_cast %mul3A_186 : i32 to index
    %get3A_188 = tpu.vector_load %arg22[%get3A_187] {strides = array<i32>} : memref<88xf32, #tpu.memory_space<vmem>>, vector<16xf32>,
    %max3A = arith.constant 0.000000e+00 : f32
    %max3A_189 = vector.broadcast %max3A : f32 to vector<16xf32>
    %max3A_190 = arith.maximumf %get3A_188, %max3A_189 : vector<16xf32>
    %bitcast3A_191 = vector.bitcast %max3A_190 : vector<16xf32> to vector<16xi32>
    %shift_right_arithmetic3A = arith.constant 1 : i32
    %shift_right_arithmetic3A_192 = vector.broadcast %shift_right_arithmetic3A : i32 to vector<16xi32>
    %shift_right_arithmetic3A_193 = arith.shrsi %bitcast3A_191, %shift_right_arithmetic3A_192 : vector<16xi32>
    %sub3A_194 = arith.constant 1597463007 : i32
    %sub3A_195 = vector.broadcast %sub3A_194 : i32 to vector<16xi32>
    %sub3A_196 = arith.subi %sub3A_195, %shift_right_arithmetic3A_193 : vector<16xi32>
    %bitcast3A_197 = vector.bitcast %sub3A_196 : vector<16xi32> to vector<16xf32>
    %mul3A_198 = arith.constant 5.000000e-01 : f32
    %mul3A_199 = vector.broadcast %mul3A_198 : f32 to vector<16xf32>
    %mul3A_200 = arith.mulf %mul3A_199, %max3A_190 : vector<16xf32>
    %mul3A_201 = arith.mulf %mul3A_200, %bitcast3A_197 : vector<16xf32>
    %mul3A_202 = arith.mulf %mul3A_201, %bitcast3A_197 : vector<16xf32>
    %sub3A_203 = arith.constant 1.500000e+00 : f32
    %sub3A_204 = vector.broadcast %sub3A_203 : f32 to vector<16xf32>
    %sub3A_205 = arith.subf %sub3A_204, %mul3A_202 : vector<16xf32>
    %mul3A_206 = arith.mulf %bitcast3A_197, %sub3A_205 : vector<16xf32>
    %mul3A_207 = arith.mulf %mul3A_200, %mul3A_206 : vector<16xf32>
    %mul3A_208 = arith.mulf %mul3A_207, %mul3A_206 : vector<16xf32>
    %sub3A_209 = arith.constant 1.500000e+00 : f32
    %sub3A_210 = vector.broadcast %sub3A_209 : f32 to vector<16xf32>
    %sub3A_211 = arith.subf %sub3A_210, %mul3A_208 : vector<16xf32>
    %mul3A_212 = arith.mulf %mul3A_206, %sub3A_211 : vector<16xf32>
    %mul3A_213 = arith.mulf %mul3A_200, %mul3A_212 : vector<16xf32>
    %mul3A_214 = arith.mulf %mul3A_213, %mul3A_212 : vector<16xf32>
    %sub3A_215 = arith.constant 1.500000e+00 : f32
    %sub3A_216 = vector.broadcast %sub3A_215 : f32 to vector<16xf32>
    %sub3A_217 = arith.subf %sub3A_216, %mul3A_214 : vector<16xf32>
    %mul3A_218 = arith.mulf %mul3A_212, %sub3A_217 : vector<16xf32>
    %mul3A_219 = arith.mulf %max3A_190, %mul3A_218 : vector<16xf32>
    %add3A_220 = arith.addf %scan3A_182, %mul3A_219 : vector<16xf32>
    %scan3A_221 = arith.constant 5 : i32
    %swap3A_222 = arith.constant 0 : i32
    %swap3A_223 = arith.index_cast %swap3A_222 : i32 to index
    %swap3A_224 = arith.constant 0 : index
    %swap3A_225 = tpu.vector_load %arg25[%swap3A_223, %swap3A_224] {strides = array<i32>} : memref<1x16xf32, #tpu.memory_space<vmem>>, vector<16xf32>,
    tpu.vector_store %arg25[%swap3A_223, %swap3A_224], %add3A_220 {strides = array<i32>} : memref<1x16xf32, #tpu.memory_space<vmem>>, vector<16xf32>,
    %mul3A_226 = arith.constant 16 : i32
    %mul3A_227 = arith.muli %arg0, %mul3A_226 : i32
    %add3A_228 = arith.addi %mul3A_227, %arg1 : i32
    "tpu.region"() ({
      %run_scoped3A_229 = tpu.sem_alloc : memref<!tpu.dma_semaphore, #tpu.memory_space<semaphore_mem>>
      %dma_start3A = arith.constant 0 : i32
      %dma_start3A_230 = tpu.memref_slice %arg8[%add3A_228, %dma_start3A] : memref<32x16xf32, #tpu.memory_space<hbm>> -> memref<1x16xf32, #tpu.memory_space<hbm>>
      %dma_start3A_231 = arith.constant 0 : i32
      %dma_start3A_232 = tpu.memref_slice %arg8[%add3A_228, %dma_start3A_231] : memref<32x16xf32, #tpu.memory_space<hbm>> -> memref<1x16xf32, #tpu.memory_space<hbm>>
      tpu.enqueue_dma source(%arg25 : memref<1x16xf32, #tpu.memory_space<vmem>>) target(%dma_start3A_232 : memref<1x16xf32, #tpu.memory_space<hbm>>) target_semaphore(%run_scoped3A_229 : memref<!tpu.dma_semaphore, #tpu.memory_space<semaphore_mem>>)
      %dma_wait3A = arith.constant 0 : i32
      %dma_wait3A_233 = tpu.memref_slice %arg8[%add3A_228, %dma_wait3A] : memref<32x16xf32, #tpu.memory_space<hbm>> -> memref<1x16xf32, #tpu.memory_space<hbm>>
      %dma_wait3A_234 = arith.constant 0 : i32
      %dma_wait3A_235 = tpu.memref_slice %arg8[%add3A_228, %dma_wait3A_234] : memref<32x16xf32, #tpu.memory_space<hbm>> -> memref<1x16xf32, #tpu.memory_space<hbm>>
      tpu.wait_dma2 semaphore(%run_scoped3A_229 : memref<!tpu.dma_semaphore, #tpu.memory_space<semaphore_mem>>) src(%arg25 : memref<1x16xf32, #tpu.memory_space<vmem>>) dst(%dma_wait3A_235 : memref<1x16xf32, #tpu.memory_space<hbm>>)
      tpu.yield
    }) : () -> ()
    %run_scoped3A = arith.constant 0 : i32
    "tpu.region"() ({
      %run_scoped3A_229 = tpu.sem_alloc : memref<!tpu.dma_semaphore, #tpu.memory_space<semaphore_mem>>
      %dma_start3A = tpu.memref_slice %arg9[%add3A, %run_scoped3A, %mul3A_138] : memref<4x1x4096xf32, #tpu.memory_space<hbm>> -> memref<1x1x512xf32, #tpu.memory_space<hbm>>
      %dma_start3A_230 = tpu.memref_squeeze %dma_start3A : memref<1x1x512xf32, #tpu.memory_space<hbm>> -> memref<512xf32, #tpu.memory_space<hbm>>
      %dma_start3A_231 = tpu.memref_slice %arg9[%add3A, %run_scoped3A, %mul3A_138] : memref<4x1x4096xf32, #tpu.memory_space<hbm>> -> memref<1x1x512xf32, #tpu.memory_space<hbm>>
      %dma_start3A_232 = tpu.memref_squeeze %dma_start3A_231 : memref<1x1x512xf32, #tpu.memory_space<hbm>> -> memref<512xf32, #tpu.memory_space<hbm>>
      tpu.enqueue_dma source(%arg23 : memref<512xf32, #tpu.memory_space<vmem>>) target(%dma_start3A_232 : memref<512xf32, #tpu.memory_space<hbm>>) target_semaphore(%run_scoped3A_229 : memref<!tpu.dma_semaphore, #tpu.memory_space<semaphore_mem>>)
      %dma_wait3A = tpu.memref_slice %arg9[%add3A, %run_scoped3A, %mul3A_138] : memref<4x1x4096xf32, #tpu.memory_space<hbm>> -> memref<1x1x512xf32, #tpu.memory_space<hbm>>
      %dma_wait3A_233 = tpu.memref_squeeze %dma_wait3A : memref<1x1x512xf32, #tpu.memory_space<hbm>> -> memref<512xf32, #tpu.memory_space<hbm>>
      %dma_wait3A_234 = tpu.memref_slice %arg9[%add3A, %run_scoped3A, %mul3A_138] : memref<4x1x4096xf32, #tpu.memory_space<hbm>> -> memref<1x1x512xf32, #tpu.memory_space<hbm>>
      %dma_wait3A_235 = tpu.memref_squeeze %dma_wait3A_234 : memref<1x1x512xf32, #tpu.memory_space<hbm>> -> memref<512xf32, #tpu.memory_space<hbm>>
      tpu.wait_dma2 semaphore(%run_scoped3A_229 : memref<!tpu.dma_semaphore, #tpu.memory_space<semaphore_mem>>) src(%arg23 : memref<512xf32, #tpu.memory_space<vmem>>) dst(%dma_wait3A_235 : memref<512xf32, #tpu.memory_space<hbm>>)
      tpu.yield
    }) : () -> ()
    return
  }
}

module attributes {stable_mosaic.version = 14 : i64} {
  func.func @_comb_body(%arg0: memref<1x1xf32, #tpu.memory_space<vmem>>, %arg1: memref<32x16xf32, #tpu.memory_space<vmem>>, %arg2: memref<4x1x4096xf32, #tpu.memory_space<vmem>>, %arg3: memref<4x1x4096xf32, #tpu.memory_space<vmem>>, %arg4: memref<1x1xf32, #tpu.memory_space<vmem>>) attributes {dimension_semantics = [], scalar_prefetch = 0 : i64, scratch_operands = 0 : i64, tpu.core_type = #tpu.core_type<tc>} {
    %get3A = arith.constant 0 : index
    %get3A_0 = arith.constant 0 : index
    %get3A_1 = arith.constant 0 : index
    %get3A_2 = vector.load %arg2[%get3A, %get3A_0, %get3A_1] : memref<4x1x4096xf32, #tpu.memory_space<vmem>>, vector<4x1x4096xf32>
    %get3A_3 = arith.constant 0 : index
    %get3A_4 = arith.constant 0 : index
    %get3A_5 = arith.constant 0 : index
    %get3A_6 = vector.load %arg3[%get3A_3, %get3A_4, %get3A_5] : memref<4x1x4096xf32, #tpu.memory_space<vmem>>, vector<4x1x4096xf32>
    %min3A = arith.minimumf %get3A_2, %get3A_6 : vector<4x1x4096xf32>
    %max3A = arith.constant 0.000000e+00 : f32
    %max3A_7 = vector.broadcast %max3A : f32 to vector<4x1x4096xf32>
    %max3A_8 = arith.maximumf %min3A, %max3A_7 : vector<4x1x4096xf32>
    %sqrt3A = math.sqrt %max3A_8 : vector<4x1x4096xf32>
    %reduce_sum3A = vector.shape_cast %sqrt3A : vector<4x1x4096xf32> to vector<1x4x1x4096xf32>
    %reduce_sum3A_9 = arith.constant dense<0.000000e+00> : vector<1xf32>
    %reduce_sum3A_10 = vector.multi_reduction <add>, %reduce_sum3A, %reduce_sum3A_9 [1, 2, 3] : vector<1x4x1x4096xf32> to vector<1xf32>
    %reduce_sum3A_11 = vector.shape_cast %reduce_sum3A_10 : vector<1xf32> to vector<1x1x1x1xf32>
    %reduce_sum3A_12 = vector.extract %reduce_sum3A_11[0, 0, 0, 0] : f32 from vector<1x1x1x1xf32>
    %get3A_13 = arith.constant 0 : index
    %get3A_14 = arith.constant 0 : index
    %get3A_15 = vector.load %arg0[%get3A_13, %get3A_14] : memref<1x1xf32, #tpu.memory_space<vmem>>, vector<1x1xf32>
    %get3A_16 = vector.extract %get3A_15[0, 0] : f32 from vector<1x1xf32>
    %get3A_17 = arith.constant 0 : index
    %get3A_18 = arith.constant 0 : index
    %get3A_19 = vector.load %arg1[%get3A_17, %get3A_18] : memref<32x16xf32, #tpu.memory_space<vmem>>, vector<32x16xf32>
    %reduce_sum3A_20 = vector.shape_cast %get3A_19 : vector<32x16xf32> to vector<1x32x16xf32>
    %reduce_sum3A_21 = arith.constant dense<0.000000e+00> : vector<1xf32>
    %reduce_sum3A_22 = vector.multi_reduction <add>, %reduce_sum3A_20, %reduce_sum3A_21 [1, 2] : vector<1x32x16xf32> to vector<1xf32>
    %reduce_sum3A_23 = vector.shape_cast %reduce_sum3A_22 : vector<1xf32> to vector<1x1x1xf32>
    %reduce_sum3A_24 = vector.extract %reduce_sum3A_23[0, 0, 0] : f32 from vector<1x1x1xf32>
    %add3A = arith.addf %get3A_16, %reduce_sum3A_24 : f32
    %mul3A = arith.constant 0.0305175781 : f32
    %mul3A_25 = arith.mulf %add3A, %mul3A : f32
    %broadcast_in_dim3A = vector.broadcast %mul3A_25 : f32 to vector<1x1xf32>
    %mul3A_26 = arith.constant 0.0305175781 : f32
    %mul3A_27 = arith.mulf %reduce_sum3A_12, %mul3A_26 : f32
    %add3A_28 = vector.broadcast %mul3A_27 : f32 to vector<1x1xf32>
    %add3A_29 = arith.addf %broadcast_in_dim3A, %add3A_28 : vector<1x1xf32>
    %swap3A = arith.constant 0 : index
    %swap3A_30 = arith.constant 0 : index
    %swap3A_31 = vector.load %arg4[%swap3A, %swap3A_30] : memref<1x1xf32, #tpu.memory_space<vmem>>, vector<1x1xf32>
    tpu.vector_store %arg4[%swap3A, %swap3A_30], %add3A_29 {strides = array<i32>} : memref<1x1xf32, #tpu.memory_space<vmem>>, vector<1x1xf32>,
    return
  }
}

module attributes {stable_mosaic.version = 14 : i64} {
  func.func @_tc_body(%arg0: i32, %arg1: i32, %arg2: memref<1x1696x3xf32, #tpu.memory_space<vmem>>, %arg3: memref<1x3x4096xf32, #tpu.memory_space<vmem>>, %arg4: memref<1x1xf32, #tpu.memory_space<vmem>>, %arg5: memref<1x1x4096xf32, #tpu.memory_space<vmem>>, %arg6: memref<1x4096xf32, #tpu.memory_space<vmem>>) attributes {dimension_semantics = [#tpu.dimension_semantics<arbitrary>, #tpu.dimension_semantics<arbitrary>], iteration_bounds = array<i64: 4, 2>, scalar_prefetch = 0 : i64, scratch_operands = 1 : i64, tpu.core_type = #tpu.core_type<tc>, window_params = [{transform_indices = @transform_0, window_bounds = array<i64: 1, 1696, 3>}, {transform_indices = @transform_1, window_bounds = array<i64: 1, 3, 4096>}, {pipeline_mode = #tpu.pipeline_mode<synchronous>, transform_indices = @transform_2, window_bounds = array<i64: 1, 1>}, {transform_indices = @transform_3, window_bounds = array<i64: 1, 1, 4096>}]} {
    %get3A = arith.constant 0 : index
    %get3A_0 = arith.constant 0 : index
    %get3A_1 = arith.constant 0 : index
    %get3A_2 = vector.load %arg2[%get3A, %get3A_0, %get3A_1] : memref<1x1696x3xf32, #tpu.memory_space<vmem>>, vector<1x1696x3xf32>
    %get3A_3 = vector.shape_cast %get3A_2 : vector<1x1696x3xf32> to vector<1696x3xf32>
    %slice3A = vector.extract_strided_slice %get3A_3 {offsets = [0, 0], sizes = [1696, 1], strides = [1, 1]} : vector<1696x3xf32> to vector<1696x1xf32>
    %slice3A_4 = vector.extract_strided_slice %get3A_3 {offsets = [0, 1], sizes = [1696, 1], strides = [1, 1]} : vector<1696x3xf32> to vector<1696x1xf32>
    %slice3A_5 = vector.extract_strided_slice %get3A_3 {offsets = [0, 2], sizes = [1696, 1], strides = [1, 1]} : vector<1696x3xf32> to vector<1696x1xf32>
    %mul3A = arith.mulf %slice3A, %slice3A : vector<1696x1xf32>
    %mul3A_6 = arith.mulf %slice3A_4, %slice3A_4 : vector<1696x1xf32>
    %add3A = arith.addf %mul3A, %mul3A_6 : vector<1696x1xf32>
    %mul3A_7 = arith.mulf %slice3A_5, %slice3A_5 : vector<1696x1xf32>
    %add3A_8 = arith.addf %add3A, %mul3A_7 : vector<1696x1xf32>
    %get3A_9 = arith.constant 0 : index
    %get3A_10 = arith.constant 0 : index
    %get3A_11 = arith.constant 0 : index
    %get3A_12 = vector.load %arg3[%get3A_9, %get3A_10, %get3A_11] : memref<1x3x4096xf32, #tpu.memory_space<vmem>>, vector<1x3x4096xf32>
    %get3A_13 = vector.shape_cast %get3A_12 : vector<1x3x4096xf32> to vector<3x4096xf32>
    %slice3A_14 = vector.extract_strided_slice %get3A_13 {offsets = [0, 0], sizes = [1, 4096], strides = [1, 1]} : vector<3x4096xf32> to vector<1x4096xf32>
    %slice3A_15 = vector.extract_strided_slice %get3A_13 {offsets = [1, 0], sizes = [1, 4096], strides = [1, 1]} : vector<3x4096xf32> to vector<1x4096xf32>
    %slice3A_16 = vector.extract_strided_slice %get3A_13 {offsets = [2, 0], sizes = [1, 4096], strides = [1, 1]} : vector<3x4096xf32> to vector<1x4096xf32>
    %mul3A_17 = arith.mulf %slice3A_14, %slice3A_14 : vector<1x4096xf32>
    %mul3A_18 = arith.mulf %slice3A_15, %slice3A_15 : vector<1x4096xf32>
    %add3A_19 = arith.addf %mul3A_17, %mul3A_18 : vector<1x4096xf32>
    %mul3A_20 = arith.mulf %slice3A_16, %slice3A_16 : vector<1x4096xf32>
    %add3A_21 = arith.addf %add3A_19, %mul3A_20 : vector<1x4096xf32>
    %convert_element_type3A = arith.truncf %get3A_3 : vector<1696x3xf32> to vector<1696x3xbf16>
    %convert_element_type3A_22 = arith.truncf %get3A_13 : vector<3x4096xf32> to vector<3x4096xbf16>
    %mul3A_23 = arith.constant -2.000000e+00 : bf16
    %mul3A_24 = vector.broadcast %mul3A_23 : bf16 to vector<3x4096xbf16>
    %mul3A_25 = arith.mulf %convert_element_type3A_22, %mul3A_24 : vector<3x4096xbf16>
    %dot_general3A = arith.constant dense<0.000000e+00> : vector<1696x4096xf32>
    %dot_general3A_26 = tpu.matmul %convert_element_type3A, %mul3A_25, %dot_general3A {dimension_numbers = #tpu.dot_dimension_numbers<[1], [0], [0], [1], [0, 0, 1, 1], [], []>, transpose_lhs_hint = false} : vector<1696x3xbf16>, vector<3x4096xbf16>, vector<1696x4096xf32> -> vector<1696x4096xf32>
    %add3A_27 = vector.broadcast %add3A_8 : vector<1696x1xf32> to vector<1696x4096xf32>
    %add3A_28 = vector.broadcast %add3A_21 : vector<1x4096xf32> to vector<1696x4096xf32>
    %add3A_29 = arith.addf %add3A_27, %add3A_28 : vector<1696x4096xf32>
    %add3A_30 = arith.addf %add3A_29, %dot_general3A_26 : vector<1696x4096xf32>
    %eq3A = arith.constant 0 : i32
    %eq3A_31 = arith.cmpi eq, %arg0, %eq3A : i32
    %eq3A_32 = arith.constant 0 : i32
    %eq3A_33 = arith.cmpi eq, %arg1, %eq3A_32 : i32
    %and3A = arith.andi %eq3A_31, %eq3A_33 : i1
    %convert_element_type3A_34 = arith.extui %and3A : i1 to i32
    %cond3A = arith.constant 0 : i32
    %cond3A_35 = arith.cmpi ne, %convert_element_type3A_34, %cond3A : i32
    scf.if %cond3A_35 {
      %broadcast_in_dim3A_67 = arith.constant 0.000000e+00 : f32
      %broadcast_in_dim3A_68 = vector.broadcast %broadcast_in_dim3A_67 : f32 to vector<1x1xf32>
      %swap3A_69 = arith.constant 0 : index
      %swap3A_70 = arith.constant 0 : index
      %swap3A_71 = vector.load %arg4[%swap3A_69, %swap3A_70] : memref<1x1xf32, #tpu.memory_space<vmem>>, vector<1x1xf32>
      tpu.vector_store %arg4[%swap3A_69, %swap3A_70], %broadcast_in_dim3A_68 {strides = array<i32>} : memref<1x1xf32, #tpu.memory_space<vmem>>, vector<1x1xf32>,
    } else {
    }
    %reduce_min3A = arith.constant dense<0x7F800000> : vector<1696xf32>
    %reduce_min3A_36 = vector.multi_reduction <minimumf>, %add3A_30, %reduce_min3A [1] : vector<1696x4096xf32> to vector<1696xf32>
    %broadcast_in_dim3A = vector.shape_cast %reduce_min3A_36 : vector<1696xf32> to vector<1696x1xf32>
    %max3A = arith.constant 0.000000e+00 : f32
    %max3A_37 = vector.broadcast %max3A : f32 to vector<1696x1xf32>
    %max3A_38 = arith.maximumf %broadcast_in_dim3A, %max3A_37 : vector<1696x1xf32>
    %get3A_39 = arith.constant 0 : index
    %get3A_40 = arith.constant 0 : index
    %get3A_41 = vector.load %arg4[%get3A_39, %get3A_40] : memref<1x1xf32, #tpu.memory_space<vmem>>, vector<1x1xf32>
    %sqrt3A = math.sqrt %max3A_38 : vector<1696x1xf32>
    %reduce_sum3A = vector.shape_cast %sqrt3A : vector<1696x1xf32> to vector<1x1696x1xf32>
    %reduce_sum3A_42 = arith.constant dense<0.000000e+00> : vector<1xf32>
    %reduce_sum3A_43 = vector.multi_reduction <add>, %reduce_sum3A, %reduce_sum3A_42 [1, 2] : vector<1x1696x1xf32> to vector<1xf32>
    %reduce_sum3A_44 = vector.shape_cast %reduce_sum3A_43 : vector<1xf32> to vector<1x1x1xf32>
    %reduce_sum3A_45 = vector.extract %reduce_sum3A_44[0, 0, 0] : f32 from vector<1x1x1xf32>
    %broadcast_in_dim3A_46 = vector.broadcast %reduce_sum3A_45 : f32 to vector<1x1xf32>
    %add3A_47 = arith.addf %get3A_41, %broadcast_in_dim3A_46 : vector<1x1xf32>
    %swap3A = arith.constant 0 : index
    %swap3A_48 = arith.constant 0 : index
    %swap3A_49 = vector.load %arg4[%swap3A, %swap3A_48] : memref<1x1xf32, #tpu.memory_space<vmem>>, vector<1x1xf32>
    tpu.vector_store %arg4[%swap3A, %swap3A_48], %add3A_47 {strides = array<i32>} : memref<1x1xf32, #tpu.memory_space<vmem>>, vector<1x1xf32>,
    %reduce_min3A_50 = arith.constant dense<0x7F800000> : vector<4096xf32>
    %reduce_min3A_51 = vector.multi_reduction <minimumf>, %add3A_30, %reduce_min3A_50 [0] : vector<1696x4096xf32> to vector<4096xf32>
    %broadcast_in_dim3A_52 = vector.shape_cast %reduce_min3A_51 : vector<4096xf32> to vector<1x4096xf32>
    %eq3A_53 = arith.constant 0 : i32
    %eq3A_54 = arith.cmpi eq, %arg1, %eq3A_53 : i32
    %convert_element_type3A_55 = arith.extui %eq3A_54 : i1 to i32
    %cond3A_56 = arith.constant 0 : i32
    %cond3A_57 = arith.cmpi ne, %convert_element_type3A_55, %cond3A_56 : i32
    scf.if %cond3A_57 {
      %swap3A_67 = arith.constant 0 : index
      %swap3A_68 = arith.constant 0 : index
      %swap3A_69 = vector.load %arg6[%swap3A_67, %swap3A_68] : memref<1x4096xf32, #tpu.memory_space<vmem>>, vector<1x4096xf32>
      tpu.vector_store %arg6[%swap3A_67, %swap3A_68], %broadcast_in_dim3A_52 {strides = array<i32>} : memref<1x4096xf32, #tpu.memory_space<vmem>>, vector<1x4096xf32>,
    } else {
    }
    %gt3A = arith.constant 0 : i32
    %gt3A_58 = arith.cmpi sgt, %arg1, %gt3A : i32
    %convert_element_type3A_59 = arith.extui %gt3A_58 : i1 to i32
    %cond3A_60 = arith.constant 0 : i32
    %cond3A_61 = arith.cmpi ne, %convert_element_type3A_59, %cond3A_60 : i32
    scf.if %cond3A_61 {
      %get3A_67 = arith.constant 0 : index
      %get3A_68 = arith.constant 0 : index
      %get3A_69 = vector.load %arg6[%get3A_67, %get3A_68] : memref<1x4096xf32, #tpu.memory_space<vmem>>, vector<1x4096xf32>
      %min3A = arith.minimumf %get3A_69, %broadcast_in_dim3A_52 : vector<1x4096xf32>
      %swap3A_70 = arith.constant 0 : index
      %swap3A_71 = arith.constant 0 : index
      %swap3A_72 = vector.load %arg6[%swap3A_70, %swap3A_71] : memref<1x4096xf32, #tpu.memory_space<vmem>>, vector<1x4096xf32>
      tpu.vector_store %arg6[%swap3A_70, %swap3A_71], %min3A {strides = array<i32>} : memref<1x4096xf32, #tpu.memory_space<vmem>>, vector<1x4096xf32>,
    } else {
    }
    %eq3A_62 = arith.constant 1 : i32
    %eq3A_63 = arith.cmpi eq, %arg1, %eq3A_62 : i32
    %convert_element_type3A_64 = arith.extui %eq3A_63 : i1 to i32
    %cond3A_65 = arith.constant 0 : i32
    %cond3A_66 = arith.cmpi ne, %convert_element_type3A_64, %cond3A_65 : i32
    scf.if %cond3A_66 {
      %get3A_67 = arith.constant 0 : index
      %get3A_68 = arith.constant 0 : index
      %get3A_69 = vector.load %arg6[%get3A_67, %get3A_68] : memref<1x4096xf32, #tpu.memory_space<vmem>>, vector<1x4096xf32>
      %broadcast_in_dim3A_70 = vector.shape_cast %get3A_69 : vector<1x4096xf32> to vector<1x1x4096xf32>
      %swap3A_71 = arith.constant 0 : index
      %swap3A_72 = arith.constant 0 : index
      %swap3A_73 = arith.constant 0 : index
      %swap3A_74 = vector.load %arg5[%swap3A_71, %swap3A_72, %swap3A_73] : memref<1x1x4096xf32, #tpu.memory_space<vmem>>, vector<1x1x4096xf32>
      tpu.vector_store %arg5[%swap3A_71, %swap3A_72, %swap3A_73], %broadcast_in_dim3A_70 {strides = array<i32>} : memref<1x1x4096xf32, #tpu.memory_space<vmem>>, vector<1x1x4096xf32>,
    } else {
    }
    return
  }
  func.func @transform_0(%arg0: i32, %arg1: i32) -> (i32, i32, i32) {
    %c0_i32 = arith.constant 0 : i32
    %c0_i32_0 = arith.constant 0 : i32
    return %arg0, %arg1, %c0_i32 : i32, i32, i32
  }
  func.func @transform_1(%arg0: i32, %arg1: i32) -> (i32, i32, i32) {
    %c0_i32 = arith.constant 0 : i32
    %c0_i32_0 = arith.constant 0 : i32
    %c0_i32_1 = arith.constant 0 : i32
    return %arg0, %c0_i32, %c0_i32_0 : i32, i32, i32
  }
  func.func @transform_2(%arg0: i32, %arg1: i32) -> (i32, i32) {
    %c0_i32 = arith.constant 0 : i32
    %c0_i32_0 = arith.constant 0 : i32
    %c0_i32_1 = arith.constant 0 : i32
    return %c0_i32, %c0_i32_0 : i32, i32
  }
  func.func @transform_3(%arg0: i32, %arg1: i32) -> (i32, i32, i32) {
    %c0_i32 = arith.constant 0 : i32
    %c0_i32_0 = arith.constant 0 : i32
    %c0_i32_1 = arith.constant 0 : i32
    return %arg0, %c0_i32, %c0_i32_0 : i32, i32, i32
  }
}

</mosaic_0001>

<sc_bundles>
// kernel: kernel.5.cloned.1.call-start
scs
__scs_entry_jumppad:
0x0: {  	(pc) =	sbr.rel $0x88, $3  }
0x1: {  	(tag) =	ssettag $0x0;
	lr =	simm.s32 $0x1  }
0x2: {  	[smem:$0x3F9F] =	sst lr;
	_ =	strace $0xD0000000  }
0x3: {  	_ = 	snop  }
0x4: {  	_ = 	snop  }
0x5: {  	_ = 	snop  }
0x6: {  	_ = 	snop  }
0x7: {  	_ = 	snop  }
__scs_overlays_trampoline_lowered:
0x8: {  	[smem:$0x3FAE] =	sst s0  }
0x9: {  	[smem:$0x3FAF] =	sst s1  }
0xa: {  	[smem:$0x3FB0] =	sst s2  }
0xb: {  	[smem:$0x3FB1] =	sst s3  }
0xc: {  	[smem:$0x3FB2] =	sst s4  }
0xd: {  	[smem:$0x3FB3] =	sst s5  }
0xe: {  	[smem:$0x3FB4] =	sst s6  }
0xf: {  	[smem:$0x3FB5] =	sst s7  }
0x10: {  	[smem:$0x3FB6] =	sst s8  }
0x11: {  	[smem:$0x3FB7] =	sst s9;
	s0 =	simm.s32 @!p0 $0x0  }
0x12: {  	s1 =	sld [smem:$0x3F9D];
	s0 =	simm.s32 @p0 $0x1  }
0x13: {  	[smem:$0x3FB8] =	sst s0;
	s0 =	simm.s32 @!p1 $0x0  }
0x14: {  	s2 =	sld [smem:$0x3F9C];
	s0 =	simm.s32 @p1 $0x1  }
0x15: {  	[smem:$0x3FB9] =	sst s0;
	s0 =	simm.s32 @!p2 $0x0  }
0x16: {  	s3 =	sld [smem:$0x3FDB];
	s0 =	simm.s32 @p2 $0x1  }
0x17: {  	s4 =	simm.s32 $0x1BF5;
	[smem:$0x3FBB] =	sst s0  }
0x18: {  	s0 =	sld [smem:$0x3F9E];
	_ =	swait.ge [sflag:s4], $0x0  }
0x19: {  	s7 =	sld [smem:$0x3F9F]  }
0x1a: {  	s8 =	sadd.s32 $0xFFFFE003, lr  }
0x1b: {  	s9 =	sadd.s32 $0xFFFFFEF7, lr;
	s5 =	simm.s32 $0xFFFFFFFF;
	p2 =	slt.u32 s8, $0xFFFFF086  }
0x1c: {  	p1 =	slt.u32 s9, $0xF7A;
	s5 =	simm.s32 @!p2 $0x0  }
0x1d: {  	s5 =	simm.s32 @p1 $0x1;
	p0 =	seq.s32 s7, s2  }
0x1e: {  	s7 =	smul.u32 @!p0 $0xF7A, s2;
	p2 =	seq.s32 @!p0 s5, $0x0  }
0x1f: {  	s9 =	smul.u32 $0xF7A, s1;
	s8 =	simm.s32 @!p0 $0x1BF5;
	p2 =	por !p2, p0  }
0x20: {  	[sflag:s8] =	ssyncset.s32 @!p0 $0xFFFFF086;
	s6 =	sadd.s32 @!p0 s3, s7;
	s7 =	simm.s32 @!p0 $0x108  }
0x21: {  	s3 =	sadd.s32 s3, s9;
	s6 =	sadd.s32 @!p0 $0x88, s6;
	s7 =	simm.s32 @p2 $0x1082  }
0x22: {  	[simem:s7], [sflag:s8] =	dma.local @!p0 [hbm:s6], $0xF7A  }
0x23: {  	s9 =	sor.u32 $0xD0000000, s2;
	s6 =	simm.s32 $0x108;
	_ =	swait.ge @!p0 [sflag:s8], $0x0  }
0x24: {  	s3 =	sadd.s32 $0x88, s3;
	s6 =	simm.s32 @!p1 $0x1082;
	[sflag:s4] =	ssyncset.s32 $0xFFFFF086  }
0x25: {  	[simem:s6], [sflag:s4] =	dma.local [hbm:s3], $0xF7A  }
0x26: {  	[smem:$0x3F9F] =	sst s1;
	(tag) =	ssettag s2;
	_ =	strace s9  }
0x27: {  	s1 =	sld [smem:$0x3FAF]  }
0x28: {  	s2 =	sld [smem:$0x3FB0]  }
0x29: {  	s4 =	sld [smem:$0x3FB2]  }
0x2a: {  	p0 =	seq.s32 s5, $0x0;
	s5 =	sld [smem:$0x3FB3]  }
0x2b: {  	s6 =	sld [smem:$0x3FB4]  }
0x2c: {  	s7 =	sld [smem:$0x3FB5]  }
0x2d: {  	s3 =	simm.s32 $0x108;
	s8 =	sld [smem:$0x3FB6]  }
0x2e: {  	s3 =	simm.s32 @!p0 $0x1082;
	s9 =	sld [smem:$0x3FB7]  }
0x2f: {  	lr =	sadd.s32 s0, s3;
	s0 =	sld [smem:$0x3FAE]  }
0x30: {  	s3 =	sld [smem:$0x3FB1]  }
0x31: {  	[smem:$0x3FBA] =	sst s10  }
0x32: {  	s10 =	sld [smem:$0x3FB8];
	_ =	sdelay $0x3  }
0x33: {  	p0 =	seq.s32 s10, $0x1;
	s10 =	sld [smem:$0x3FBA];
	_ =	sdelay $0x3  }
0x34: {  	[smem:$0x3FBA] =	sst s10  }
0x35: {  	s10 =	sld [smem:$0x3FB9];
	_ =	sdelay $0x3  }
0x36: {  	p1 =	seq.s32 s10, $0x1;
	s10 =	sld [smem:$0x3FBA];
	_ =	sdelay $0x3  }
0x37: {  	[smem:$0x3FBA] =	sst s10  }
0x38: {  	s10 =	sld [smem:$0x3FBB]  }
0x39: {  	_ = 	snop;
	(pc) =	sbr.ind lr, $3  }
0x3a: {  	_ = 	snop  }
0x3b: {  	_ = 	snop  }
0x3c: {  	p2 =	seq.s32 s10, $0x1;
	s10 =	sld [smem:$0x3FBA]  }
0x3d: {  	_ =	shalt  }
0x3e: {  	_ =	shalt  }
0x3f: {  	_ =	shalt  }
0x40: {  	_ =	shalt  }
0x41: {  	_ =	shalt  }
0x42: {  	_ =	shalt  }
0x43: {  	_ =	shalt  }
0x44: {  	_ =	shalt  }
0x45: {  	_ =	shalt  }
0x46: {  	_ =	shalt  }
0x47: {  	_ =	shalt  }
0x48: {  	_ =	shalt  }
0x49: {  	_ =	shalt  }
0x4a: {  	_ =	shalt  }
0x4b: {  	_ =	shalt  }
0x4c: {  	_ =	shalt  }
0x4d: {  	_ =	shalt  }
0x4e: {  	_ =	shalt  }
0x4f: {  	_ =	shalt  }
0x50: {  	_ =	shalt  }
0x51: {  	_ =	shalt  }
0x52: {  	_ =	shalt  }
0x53: {  	_ =	shalt  }
0x54: {  	_ =	shalt  }
0x55: {  	_ =	shalt  }
0x56: {  	_ =	shalt  }
0x57: {  	_ =	shalt  }
0x58: {  	_ =	shalt  }
0x59: {  	_ =	shalt  }
0x5a: {  	_ =	shalt  }
0x5b: {  	_ =	shalt  }
0x5c: {  	_ =	shalt  }
0x5d: {  	_ =	shalt  }
0x5e: {  	_ =	shalt  }
0x5f: {  	_ =	shalt  }
0x60: {  	_ =	shalt  }
0x61: {  	_ =	shalt  }
0x62: {  	_ =	shalt  }
0x63: {  	_ =	shalt  }
0x64: {  	_ =	shalt  }
0x65: {  	_ =	shalt  }
0x66: {  	_ =	shalt  }
0x67: {  	_ =	shalt  }
0x68: {  	_ =	shalt  }
0x69: {  	_ =	shalt  }
0x6a: {  	_ =	shalt  }
0x6b: {  	_ =	shalt  }
0x6c: {  	_ =	shalt  }
0x6d: {  	_ =	shalt  }
0x6e: {  	_ =	shalt  }
0x6f: {  	_ =	shalt  }
0x70: {  	_ =	shalt  }
0x71: {  	_ =	shalt  }
0x72: {  	_ =	shalt  }
0x73: {  	_ =	shalt  }
0x74: {  	_ =	shalt  }
0x75: {  	_ =	shalt  }
0x76: {  	_ =	shalt  }
0x77: {  	_ =	shalt  }
0x78: {  	_ =	shalt  }
0x79: {  	_ =	shalt  }
0x7a: {  	_ =	shalt  }
0x7b: {  	_ =	shalt  }
0x7c: {  	_ =	shalt  }
0x7d: {  	_ =	shalt  }
0x7e: {  	_ =	shalt  }
0x7f: {  	_ =	shalt  }
0x80: {  	_ =	shalt  }
0x81: {  	_ =	shalt  }
0x82: {  	_ =	shalt  }
0x83: {  	_ =	shalt  }
0x84: {  	_ =	shalt  }
0x85: {  	_ =	shalt  }
0x86: {  	_ =	shalt  }
0x87: {  	_ =	shalt  }
.Lfunc_end0:
.L_simem_size_0:
called_computation_lowered:
.L_overlay_start_0:
0x88: {  	s2 =	sld [smem:$0x3FD9]  }
0x89: {  	s3 =	sld [smem:$0x3FFE];
	_ =	sdelay $0x1  }
0x8a: {  	s1 =	srdreg.scid  }
0x8b: {  	s0 =	sand.u32 $0x1, s1  }
0x8c: {  	s16 =	sshll.u32 s0, $0xA;
	s2 =	sadd.s32 s3, s2  }
0x8d: {  	s2 =	sadd.s32 s2, s16  }
0x8e: {  	[smem:$0x3FC6] =	sst s2  }
0x8f: {  	_ = 	snop  }
0x90: {  	(tm) =	ssettm $0x1  }
0x91: {  	s17 =	sld [smem:$0x3FFB];
	_ =	sdelay $0x3  }
0x92: {  	_ =	strace s17  }
0x93: {  	s2 =	sld [smem:$0x3FFC];
	_ =	sdelay $0x3  }
0x94: {  	_ =	strace s2  }
0x95: {  	s2 =	sld [smem:$0x3FFD];
	_ =	sdelay $0x3  }
0x96: {  	_ =	strace s2  }
0x97: {  	_ =	strace $0x8FFFFFFF  }
0x98: {  	s18 =	sld [smem:$0x3FDB];
	_ =	sdelay $0x1  }
0x99: {  	s19 =	simm.s32 $_scs_section_size  }
0x9a: {  	s4 =	simm.s32 $_size__tile_overlayer_lowered;
	s5 =	simm.s32 $_tile_overlayer_lowered  }
0x9b: {  	s22 =	simm.s32 $0x1BFF;
	s21 =	sshll.u32 s5, $0x1;
	s2 =	sadd.s32 s19, s18  }
0x9c: {  	s6 =	simm.s32 $0x0;
	s20 =	sshll.u32 s4, $0x1;
	s4 =	sadd.s32 s21, s2  }
0x9d: {  	[timem:s6], [sflag:s22] =	dma.local [hbm:s4], s20  }
0x9e: {  	_ =	swait.ge [sflag:s22], s20  }
0x9f: {  	s3 =	ssub.s32 $0x0, s20;
	[sflag:s22] =	ssyncset.done $0x0  }
0xa0: {  	[sflag:s22] =	ssyncadd.s32 s3;
	_ =	sdelay $0x1  }
0xa1: {  	s23 =	simm.s32 $0x1B8B  }
0xa2: {  	_ =	swait.ge [sflag:s23], $0x1  }
0xa3: {  	[sflag:s23] =	ssyncset.done $0x0  }
0xa4: {  	s25 =	simm.s32 $0x1B8E;
	s24 =	sld [smem:$0x3FFE];
	[sflag:s23] =	ssyncadd.s32 $0xFFFFFFFF  }
0xa5: {  	s26 =	simm.s32 $execute0_lowered;
	[smem:$0x3FD2] =	sst s25  }
0xa6: {  	s4 =	sshll.u32 s26, $0x1;
	_ =	strace $0x80000046;
	[dreg:$0x1] =	wrdreg $0xFFFFFFFF  }
0xa7: {  	s28 =	simm.s32 $_size_execute0_lowered;
	s2 =	sadd.s32 s2, s4;
	[dreg:$0x0] =	wrdreg $0x0  }
0xa8: {  	s4 =	sshll.u32 s28, $0x1;
	[dreg:$0x2] =	wrdreg s2  }
0xa9: {  	[dreg:$0x3] =	wrdreg s4  }
0xaa: {  	[dreg:$0x4] =	wrdreg $0xC0  }
0xab: {  	_ =	task [dreg:s6], $0x5FFFF  }
0xac: {  	[dreg:$0x1] =	wrdreg $0xFFFFFFFF  }
0xad: {  	[dreg:$0x0] =	wrdreg $0x60  }
0xae: {  	[dreg:$0x2] =	wrdreg s24  }
0xaf: {  	[dreg:$0x3] =	wrdreg $0x87000  }
0xb0: {  	[dreg:$0x4] =	wrdreg $0x9  }
0xb1: {  	_ =	task.clear_ibuf [dreg:s6], $0x5FFFF;
	_ =	strace $0x90000046  }
0xb2: {  	s29 =	simm.s32 $0x9;
	_ =	strace $0x80000048  }
0xb3: {  	_ =	swait.ge [sflag:s29], $0x1  }
0xb4: {  	[sflag:s29] =	ssyncadd.s32 $0xFFFFFFFF  }
0xb5: {  	_ =	strace $0x90000048  }
0xb6: {  	_ =	sfence  }
0xb7: {  	s30 =	sld [smem:$0x0];
	_ =	sdelay $0x2  }
0xb8: {  	s31 =	sshll.u32 s1, $0xD;
	s1 =	sshrl.u32 s1, $0x2  }
0xb9: {  	s3 =	sand.u32 $0x4000, s31;
	s1 =	sadd.s32 s1, s30  }
0xba: {  	s0 =	sor.u32 s3, s0;
	s1 =	sshll.u32 s1, $0x11  }
0xbb: {  	s0 =	sor.u32 s1, s0  }
0xbc: {  	s0 =	sadd.s32 $0x8F2B, s0  }
0xbd: {  	[sflag:s0] =	ssyncadd.remote.s32 $0x1  }
0xbe: {  	_ =	sfence.sel $0xFFFF  }
0xbf: {  	[dreg:$0x0] =	wrdreg $0xFFFFFFFF;
	(pc) =	sbr.abs _section_cstart, $3  }
0xc0: {  	[dreg:$0x1] =	wrdreg $0xFFFFFFFF  }
0xc1: {  	_ =	task.clear_ibuf [dreg:s6], $0x2FFFF;
	_ =	strace $0x9FFFFFFF  }
0xc2: {  	(tm) =	ssettm $0x7FFFFFFF  }
0xc3: {  	_ =	shalt  }
tec
execute0_lowered:
.L_overlay_start_1:
0x0: {  	(tag) =	ssettag $0x1  }
0x1: {  	s0 =	rddreg [dreg:$0x0]  }
0x2: {  	s1 =	rddreg [dreg:$0x1];
	s2 =	simm.s32 $0x0;
	s3 =	srdreg.scid  }
0x3: {  	s12 =	stileid.u32;
	s14 =	simm.s32 $0x1;
	s15 =	simm.s32 $0x80  }
0x4: {  	s16 =	simm.s32 $0x100;
	s28 =	simm.s32 $0x0;
	s29 =	simm.s32 $0x0  }
0x5: {  	[smem:$0x7FF] =	sst s2;
	s3 =	sand.u32 $0x1, s3;
	s4 =	sshrl.u32 s12, $0x3  }
0x6: {  	s7 =	sshll.u32 s12, $0x7;
	s20 =	sand.u32 $0x7, s12;
	s25 =	sshll.u32 s12, $0xC  }
0x7: {  	s5 =	sshll.u32 s3, $0xD;
	s6 =	sshll.u32 s4, $0xC;
	s19 =	sshll.u32 s3, $0xB  }
0x8: {  	s8 =	sand.u32 $0x400, s7;
	s7 =	sand.u32 $0x380, s7;
	s10 =	smul.u32 $0x58, s20  }
0x9: {  	_ =	strace $0x80000047;
	s11 =	sshll.u32 s20, $0x9;
	s3 =	ssub.s32 $0x2, s3  }
0xa: {  	s4 =	sshll.u32 s4, $0xF;
	s31 =	sshll.u32 s20, $0xC;
	s20 =	simm.s32 $0x180  }
0xb: {  	s5 =	sor.u32 s5, s6;
	s6 =	sor.u32 s19, s8;
	s21 =	sshrl.u32 s3, $0x1  }
0xc: {  	s9 =	sshrl.u32 s5, $0x3;
	s6 =	sor.u32 s7, s6;
	s10 =	sor.u32 s5, s10  }
0xd: {  	s5 =	sor.u32 s11, s5;
	s3 =	ssub.s32 s3, s21;
	s21 =	simm.s32 $0x8200  }
0xe: {  	s9 =	sadd.s32 s9, s0;
	s6 =	sshrl.u32 s6, $0x3;
	s10 =	sshrl.u32 s10, $0x3  }
0xf: {  	s5 =	sshrl.u32 s5, $0x3;
	s13 =	smax.u32 s3, $0x1;
	s6 =	sadd.s32 s6, s0  }
0x10: {  	s10 =	sadd.s32 s0, s10;
	s0 =	sadd.s32 s5, s0;
	s26 =	sadd.s32 $0x2A00, s9  }
0x11: {  	s30 =	sadd.s32 $0x3A00, s9;
	s5 =	sand.u32 $0x8000, s25;
	[dreg:$0x6] =	wrdreg s26  }
0x12: {  	s9 =	sadd.s32 $0x3200, s9;
	s22 =	sadd.s32 $0x13A8, s10;
	[dreg:$0x7] =	wrdreg s30  }
0x13: {  	s23 =	sadd.s32 $0x23A8, s10;
	s24 =	sadd.s32 $0x1BA8, s10;
	[dreg:$0x8] =	wrdreg s9  }
0x14: {  	s5 =	sadd.s32 s5, s1;
	s1 =	sadd.s32 s4, s1;
	[dreg:$0x3] =	wrdreg s22  }
0x15: {  	s11 =	sadd.s32 $0x4A00, s6;
	s12 =	sadd.s32 $0x4200, s0;
	[dreg:$0x4] =	wrdreg s23  }
0x16: {  	[dreg:$0x5] =	wrdreg s24;
	s5 =	sadd.s32 s7, s5;
	s10 =	sadd.s32 s31, s1  }
0x17: {  	v37 =	vimm.f32 $3.000000010e+38;
	s22 =	simm.s32 $0x400;
	s24 =	simm.s32 $0x8480;
	[dreg:$0x9] =	wrdreg s5  }
.LBB2_1:
0x18: {  	s0 =	rddreg [dreg:$0x3]  }
0x19: {  	[tilespmem:s2], [sflag:$0x1] =	stream.linear.gather [hbm4b:s0+s2], $0x58, $0x38;
	[tilespmem:$0x9700] =	vst v63  }
0x1a: {  	_ =	swait.ge [sflag:s14], $0x58  }
0x1b: {  	[sflag:s14] =	ssyncset.done $0x0  }
0x1c: {  	s9 =	rddreg [dreg:$0x4];
	[sflag:s14] =	ssyncadd.s32 $0xFFFFFFA8  }
0x1d: {  	[tilespmem:s15], [sflag:$0x1] =	stream.linear.gather [hbm4b:s9+s2], $0x58, $0x38;
	[tilespmem:$0x9700] =	vst v63  }
0x1e: {  	_ =	swait.ge [sflag:s14], $0x58  }
0x1f: {  	[sflag:s14] =	ssyncset.done $0x0  }
0x20: {  	s17 =	rddreg [dreg:$0x5];
	[sflag:s14] =	ssyncadd.s32 $0xFFFFFFA8  }
0x21: {  	[tilespmem:s16], [sflag:$0x1] =	stream.linear.gather [hbm4b:s17+s2], $0x58, $0x38;
	[tilespmem:$0x9700] =	vst v63  }
0x22: {  	_ =	swait.ge [sflag:s14], $0x58  }
0x23: {  	[sflag:s14] =	ssyncset.done $0x0  }
0x24: {  	s1 =	simm.s32 $0x200;
	s18 =	rddreg [dreg:$0x6];
	[sflag:s14] =	ssyncadd.s32 $0xFFFFFFA8  }
0x25: {  	[tilespmem:s1], [sflag:$0x1] =	stream.linear.gather [hbm4b:s18+s2], $0x1000, $0x38;
	[tilespmem:$0x9700] =	vst v63  }
0x26: {  	_ =	swait.ge [sflag:s14], $0x1000  }
0x27: {  	[sflag:s14] =	ssyncset.done $0x0  }
0x28: {  	s23 =	simm.s32 $0x1200;
	s19 =	rddreg [dreg:$0x7];
	[sflag:s14] =	ssyncadd.s32 $0xFFFFF000  }
0x29: {  	[tilespmem:s23], [sflag:$0x1] =	stream.linear.gather [hbm4b:s19+s2], $0x1000, $0x38;
	[tilespmem:$0x9700] =	vst v63  }
0x2a: {  	_ =	swait.ge [sflag:s14], $0x1000  }
0x2b: {  	[sflag:s14] =	ssyncset.done $0x0  }
0x2c: {  	s26 =	simm.s32 $0x2200;
	s25 =	rddreg [dreg:$0x8];
	[sflag:s14] =	ssyncadd.s32 $0xFFFFF000  }
0x2d: {  	[tilespmem:s26], [sflag:$0x1] =	stream.linear.gather [hbm4b:s25+s2], $0x1000, $0x38;
	[tilespmem:$0x9700] =	vst v63  }
0x2e: {  	_ =	swait.ge [sflag:s14], $0x1000  }
0x2f: {  	[sflag:s14] =	ssyncset.done $0x0  }
0x30: {  	[sflag:s14] =	ssyncadd.s32 $0xFFFFF000  }
0x31: {  	v1 =	vld [tilespmem:$0x0]  }
0x32: {  	v2 =	vld [tilespmem:$0x80]  }
0x33: {  	v3 =	vld [tilespmem:$0x100]  }
0x34: {  	v4 =	vld [tilespmem:$0x10]  }
0x35: {  	v7 =	vld [tilespmem:$0x90]  }
0x36: {  	v9 =	vld [tilespmem:$0x110]  }
0x37: {  	v53 =	vld [tilespmem:$0x20]  }
0x38: {  	v54 =	vld [tilespmem:$0xA0]  }
0x39: {  	v14 =	vld [tilespmem:$0x120]  }
0x3a: {  	v57 =	vld [tilespmem:$0x30]  }
0x3b: {  	v16 =	vld [tilespmem:$0xB0];
	v5 =	vmul.f32 v1, v1  }
0x3c: {  	v61 =	vld [tilespmem:$0x130];
	v6 =	vmul.f32 v2, v2;
	v46 =	vmul.f32 v3, v3;
	v8 =	vshrl.u32 v1, $0x10  }
0x3d: {  	v22 =	vld [tilespmem:$0x40];
	v10 =	vshrl.u32 v2, $0x10;
	v48 =	vshrl.u32 v3, $0x10;
	v49 =	vmul.f32 v4, v4  }
0x3e: {  	v24 =	vld [tilespmem:$0xC0];
	v11 =	vmul.f32 v7, v7;
	v52 =	vmul.f32 v9, v9;
	v55 =	vshrl.u32 v4, $0x10  }
0x3f: {  	v28 =	vld [tilespmem:$0x140];
	v12 =	vshrl.u32 v7, $0x10;
	v13 =	vshrl.u32 v9, $0x10;
	v58 =	vmul.f32 v53, v53  }
0x40: {  	v59 =	vmul.f32 v54, v54;
	v15 =	vshrl.u32 v53, $0x10;
	v60 =	vmul.f32 v14, v14  }
0x41: {  	v17 =	vmul.f32 v57, v57;
	v18 =	vmul.f32 v16, v16;
	v19 =	vshrl.u32 v14, $0x10  }
0x42: {  	v21 =	vmul.f32 v61, v61;
	v23 =	vshrl.u32 v57, $0x10;
	v26 =	vshrl.u32 v16, $0x10  }
0x43: {  	v30 =	vshrl.u32 v61, $0x10;
	v31 =	vmul.f32 v22, v22;
	v32 =	vmul.f32 v24, v24  }
0x44: {  	v33 =	vmul.f32 v28, v28;
	v35 =	vshrl.u32 v22, $0x10;
	v36 =	vshrl.u32 v24, $0x10  }
0x45: {  	v39 =	vshrl.u32 v28, $0x10;
	v8 =	vand.u32 $0x1, v8;
	v47 =	vand.u32 $0x1, v10  }
0x46: {  	v50 =	vand.u32 $0x1, v48;
	v12 =	vand.u32 $0x1, v12;
	v13 =	vand.u32 $0x1, v13  }
0x47: {  	v15 =	vand.u32 $0x1, v15;
	v27 =	vand.u32 $0x1, v26;
	v5 =	vadd.f32 v6, v5  }
0x48: {  	v1 =	vadd.s32 v8, v1;
	v2 =	vadd.s32 v47, v2;
	v3 =	vadd.s32 v50, v3  }
0x49: {  	v51 =	vadd.f32 v11, v49;
	v8 =	vand.u32 $0x1, v55;
	v1 =	vadd.s32 $0x7FFF, v1  }
0x4a: {  	v7 =	vadd.s32 v12, v7;
	v2 =	vadd.s32 $0x7FFF, v2;
	v1 =	vand.u32 $0xFFFF0000, v1  }
0x4b: {  	v56 =	vadd.s32 v13, v9;
	v3 =	vadd.s32 $0x7FFF, v3;
	v2 =	vand.u32 $0xFFFF0000, v2;
	[tilespmem:$0x0] =	vst v1  }
0x4c: {  	v12 =	vadd.f32 v59, v58;
	v7 =	vadd.s32 $0x7FFF, v7;
	v3 =	vand.u32 $0xFFFF0000, v3;
	[tilespmem:$0x80] =	vst v2  }
0x4d: {  	v4 =	vadd.s32 v8, v4;
	v8 =	vadd.s32 $0x7FFF, v56;
	v7 =	vand.u32 $0xFFFF0000, v7;
	[tilespmem:$0x100] =	vst v3  }
0x4e: {  	v10 =	vadd.s32 v15, v53;
	v5 =	vadd.f32 v46, v5;
	v62 =	vand.u32 $0xFFFF0000, v8;
	[tilespmem:$0x90] =	vst v7  }
0x4f: {  	v20 =	vadd.f32 v18, v17;
	v29 =	vadd.s32 v27, v16;
	v6 =	vadd.f32 v52, v51;
	[tilespmem:$0x110] =	vst v62  }
0x50: {  	v10 =	vadd.s32 $0x7FFF, v10;
	v4 =	vadd.s32 $0x7FFF, v4;
	v63 =	vadd.f32 v60, v12;
	[tilespmem:$0x180] =	vst v5  }
0x51: {  	v25 =	vadd.f32 v21, v20;
	v4 =	vand.u32 $0xFFFF0000, v4;
	v1 =	vshrl.u32 v54, $0x10;
	[tilespmem:$0x190] =	vst v6  }
0x52: {  	v2 =	vand.u32 $0xFFFF0000, v10;
	v3 =	vand.u32 $0x1, v19;
	v1 =	vand.u32 $0x1, v1;
	[tilespmem:$0x10] =	vst v4  }
0x53: {  	v7 =	vand.u32 $0x1, v30;
	v3 =	vadd.s32 v3, v14;
	[tilespmem:$0x1A0] =	vst v63;
	v1 =	vadd.s32 v1, v54  }
0x54: {  	v6 =	vand.u32 $0x1, v23;
	[tilespmem:$0x20] =	vst v2;
	v2 =	vadd.s32 v7, v61;
	v1 =	vadd.s32 $0x7FFF, v1  }
0x55: {  	[tilespmem:$0x1B0] =	vst v25;
	v6 =	vadd.s32 v6, v57;
	v3 =	vadd.s32 $0x7FFF, v3;
	v1 =	vand.u32 $0xFFFF0000, v1  }
0x56: {  	v5 =	vadd.s32 $0x7FFF, v29;
	v6 =	vadd.s32 $0x7FFF, v6;
	[tilespmem:$0xA0] =	vst v1;
	v1 =	vand.u32 $0xFFFF0000, v3  }
0x57: {  	v3 =	vand.u32 $0xFFFF0000, v6;
	[tilespmem:$0x120] =	vst v1;
	v1 =	vadd.s32 $0x7FFF, v2;
	v2 =	vadd.f32 v32, v31  }
0x58: {  	v38 =	vand.u32 $0x1, v36;
	v34 =	vand.u32 $0xFFFF0000, v5;
	[tilespmem:$0x30] =	vst v3;
	v3 =	vand.u32 $0x1, v35  }
0x59: {  	[tilespmem:$0xB0] =	vst v34;
	v1 =	vand.u32 $0xFFFF0000, v1;
	v3 =	vadd.s32 v3, v22;
	v2 =	vadd.f32 v33, v2  }
0x5a: {  	v40 =	vand.u32 $0x1, v39;
	[tilespmem:$0x130] =	vst v1;
	v1 =	vadd.s32 $0x7FFF, v3;
	v3 =	vadd.s32 v38, v24  }
0x5b: {  	v1 =	vand.u32 $0xFFFF0000, v1;
	[tilespmem:$0x1C0] =	vst v2;
	v2 =	vadd.s32 $0x7FFF, v3;
	v3 =	vadd.s32 v40, v28  }
0x5c: {  	[tilespmem:$0x40] =	vst v1;
	v1 =	vand.u32 $0xFFFF0000, v2;
	v2 =	vadd.s32 $0x7FFF, v3  }
0x5d: {  	[tilespmem:$0xC0] =	vst v1;
	v1 =	vand.u32 $0xFFFF0000, v2  }
0x5e: {  	s17 =	simm.s32 $0x1220;
	[tilespmem:$0x140] =	vst v1  }
0x5f: {  	s8 =	simm.s32 $0x220;
	v1 =	vld [tilespmem:s17+$0xFFFFFFE0]  }
0x60: {  	s30 =	simm.s32 $0x2220;
	v2 =	vld [tilespmem:s8+$0xFFFFFFE0]  }
0x61: {  	v3 =	vld [tilespmem:s30+$0xFFFFFFE0];
	_ =	sdelay $0x3  }
0x62: {  	v41 =	vshrl.u32 v1, $0x10;
	v42 =	vmul.f32 v2, v2  }
0x63: {  	v43 =	vmul.f32 v1, v1;
	v44 =	vshrl.u32 v2, $0x10;
	v45 =	vshrl.u32 v3, $0x10  }
0x64: {  	v46 =	vmul.f32 v3, v3;
	v4 =	vand.u32 $0x1, v41;
	v7 =	vand.u32 $0x1, v44  }
0x65: {  	v8 =	vand.u32 $0x1, v45;
	v5 =	vadd.f32 v43, v42;
	v2 =	vadd.s32 v7, v2  }
0x66: {  	v3 =	vadd.s32 v8, v3;
	v1 =	vadd.s32 v4, v1;
	v2 =	vadd.s32 $0x7FFF, v2  }
0x67: {  	v1 =	vadd.s32 $0x7FFF, v1;
	v47 =	vadd.f32 v46, v5;
	v2 =	vand.u32 $0xFFFF0000, v2  }
0x68: {  	s31 =	simm.s32 $0x6220;
	v3 =	vadd.s32 $0x7FFF, v3;
	v1 =	vand.u32 $0xFFFF0000, v1;
	v2 =	vmul.f32 $-2.000000000e+00, v2  }
0x69: {  	s0 =	simm.s32 $0x3220;
	v3 =	vand.u32 $0xFFFF0000, v3;
	v1 =	vmul.f32 $-2.000000000e+00, v1;
	[tilespmem:s31+$0xFFFFFFE0] =	vst v47  }
0x6a: {  	s1 =	simm.s32 $0x4220;
	[tilespmem:s0+$0xFFFFFFE0] =	vst v2;
	v2 =	vmul.f32 $-2.000000000e+00, v3  }
0x6b: {  	s18 =	simm.s32 $0x5220;
	[tilespmem:s1+$0xFFFFFFE0] =	vst v1  }
0x6c: {  	s19 =	simm.s32 $0x7220;
	[tilespmem:s18+$0xFFFFFFE0] =	vst v2  }
0x6d: {  	[tilespmem:s19+$0xFFFFFFE0] =	vst v37  }
0x6e: {  	v1 =	vld [tilespmem:s8+$0xFFFFFFF0]  }
0x6f: {  	v2 =	vld [tilespmem:s17+$0xFFFFFFF0]  }
0x70: {  	v3 =	vld [tilespmem:s30+$0xFFFFFFF0];
	_ =	sdelay $0x3  }
0x71: {  	v48 =	vmul.f32 v1, v1;
	v49 =	vshrl.u32 v1, $0x10  }
0x72: {  	v50 =	vmul.f32 v2, v2;
	v51 =	vshrl.u32 v2, $0x10;
	v52 =	vmul.f32 v3, v3  }
0x73: {  	v54 =	vshrl.u32 v3, $0x10;
	v5 =	vand.u32 $0x1, v49;
	v53 =	vand.u32 $0x1, v51  }
0x74: {  	v55 =	vand.u32 $0x1, v54;
	v1 =	vadd.s32 v5, v1;
	v4 =	vadd.f32 v50, v48  }
0x75: {  	v2 =	vadd.s32 v53, v2;
	v3 =	vadd.s32 v55, v3;
	v1 =	vadd.s32 $0x7FFF, v1  }
0x76: {  	v2 =	vadd.s32 $0x7FFF, v2;
	v1 =	vand.u32 $0xFFFF0000, v1;
	v4 =	vadd.f32 v52, v4  }
0x77: {  	v3 =	vadd.s32 $0x7FFF, v3;
	v2 =	vand.u32 $0xFFFF0000, v2;
	v1 =	vmul.f32 $-2.000000000e+00, v1  }
0x78: {  	v3 =	vand.u32 $0xFFFF0000, v3;
	v2 =	vmul.f32 $-2.000000000e+00, v2;
	[tilespmem:s31+$0xFFFFFFF0] =	vst v4  }
0x79: {  	[tilespmem:s0+$0xFFFFFFF0] =	vst v1;
	v1 =	vmul.f32 $-2.000000000e+00, v3  }
0x7a: {  	[tilespmem:s1+$0xFFFFFFF0] =	vst v2  }
0x7b: {  	[tilespmem:s18+$0xFFFFFFF0] =	vst v1  }
0x7c: {  	[tilespmem:s19+$0xFFFFFFF0] =	vst v37  }
0x7d: {  	v1 =	vld [tilespmem:s8+$0x0]  }
0x7e: {  	v2 =	vld [tilespmem:s17+$0x0]  }
0x7f: {  	v3 =	vld [tilespmem:s30+$0x0];
	_ =	sdelay $0x3  }
0x80: {  	v56 =	vmul.f32 v1, v1;
	v57 =	vshrl.u32 v1, $0x10  }
0x81: {  	v58 =	vmul.f32 v2, v2;
	v59 =	vshrl.u32 v2, $0x10;
	v60 =	vshrl.u32 v3, $0x10  }
0x82: {  	v62 =	vmul.f32 v3, v3;
	v5 =	vand.u32 $0x1, v57;
	v61 =	vand.u32 $0x1, v59  }
0x83: {  	v63 =	vand.u32 $0x1, v60;
	v1 =	vadd.s32 v5, v1;
	v4 =	vadd.f32 v58, v56  }
0x84: {  	v2 =	vadd.s32 v61, v2;
	v3 =	vadd.s32 v63, v3;
	v1 =	vadd.s32 $0x7FFF, v1  }
0x85: {  	v2 =	vadd.s32 $0x7FFF, v2;
	v4 =	vadd.f32 v62, v4;
	v1 =	vand.u32 $0xFFFF0000, v1  }
0x86: {  	v3 =	vadd.s32 $0x7FFF, v3;
	v2 =	vand.u32 $0xFFFF0000, v2;
	v1 =	vmul.f32 $-2.000000000e+00, v1  }
0x87: {  	v3 =	vand.u32 $0xFFFF0000, v3;
	v2 =	vmul.f32 $-2.000000000e+00, v2;
	[tilespmem:s31+$0x0] =	vst v4  }
0x88: {  	[tilespmem:s0+$0x0] =	vst v1;
	v1 =	vmul.f32 $-2.000000000e+00, v3  }
0x89: {  	[tilespmem:s1+$0x0] =	vst v2  }
0x8a: {  	s3 =	simm.s32 $0x2260;
	s4 =	simm.s32 $0x1260;
	s5 =	simm.s32 $0x260;
	[tilespmem:s18+$0x0] =	vst v1  }
0x8b: {  	s6 =	simm.s32 $0x4260;
	s7 =	simm.s32 $0x3260;
	s23 =	simm.s32 $0x5220;
	[tilespmem:s19+$0x0] =	vst v37  }
0x8c: {  	s26 =	simm.s32 $0x0;
	s25 =	simm.s32 $0x7220;
	v1 =	vld [tilespmem:s8+$0x10];
	s8 =	simm.s32 $0x6260  }
.LBB2_2:
0x8d: {  	s26 =	sadd.s32 $0x4, s26;
	v2 =	vld [tilespmem:s17+$0x10];
	s19 =	sadd.s32 $0x40, s19;
	s18 =	sadd.s32 $0x40, s18  }
0x8e: {  	s17 =	smov.u32 s4;
	p0 =	slt.u32 s26, $0xFC;
	v3 =	vld [tilespmem:s30+$0x10];
	s30 =	smov.u32 s3  }
0x8f: {  	s9 =	smov.u32 s5;
	_ =	sdelay $0x1  }
0x90: {  	v4 =	vmul.f32 v1, v1;
	v5 =	vshrl.u32 v1, $0x10  }
0x91: {  	v6 =	vmul.f32 v2, v2;
	v5 =	vand.u32 $0x1, v5;
	v7 =	vshrl.u32 v2, $0x10  }
0x92: {  	v8 =	vmul.f32 v3, v3;
	v1 =	vadd.s32 v5, v1;
	v5 =	vand.u32 $0x1, v7  }
0x93: {  	v4 =	vadd.f32 v6, v4;
	v1 =	vadd.s32 $0x7FFF, v1;
	v2 =	vadd.s32 v5, v2  }
0x94: {  	v5 =	vshrl.u32 v3, $0x10;
	v1 =	vand.u32 $0xFFFF0000, v1;
	v2 =	vadd.s32 $0x7FFF, v2  }
0x95: {  	v5 =	vand.u32 $0x1, v5;
	v4 =	vadd.f32 v8, v4;
	v2 =	vand.u32 $0xFFFF0000, v2  }
0x96: {  	v1 =	vmul.f32 $-2.000000000e+00, v1;
	v3 =	vadd.s32 v5, v3  }
0x97: {  	v2 =	vmul.f32 $-2.000000000e+00, v2;
	v3 =	vadd.s32 $0x7FFF, v3;
	[tilespmem:s31+$0x10] =	vst v4;
	s31 =	smov.u32 s8  }
0x98: {  	[tilespmem:s0+$0x10] =	vst v1;
	v1 =	vand.u32 $0xFFFF0000, v3;
	s0 =	smov.u32 s7  }
0x99: {  	[tilespmem:s1+$0x10] =	vst v2;
	v1 =	vmul.f32 $-2.000000000e+00, v1;
	s1 =	smov.u32 s6;
	_ =	sdelay $0x1  }
0x9a: {  	[tilespmem:s23+$0x10] =	vst v1;
	s23 =	smov.u32 s18  }
0x9b: {  	[tilespmem:s25+$0x10] =	vst v37;
	s25 =	smov.u32 s19  }
0x9c: {  	v1 =	vld [tilespmem:s4+$0xFFFFFFE0]  }
0x9d: {  	v2 =	vld [tilespmem:s3+$0xFFFFFFE0]  }
0x9e: {  	v3 =	vld [tilespmem:s5+$0xFFFFFFE0];
	_ =	sdelay $0x2  }
0x9f: {  	v4 =	vshrl.u32 v1, $0x10  }
0xa0: {  	v4 =	vand.u32 $0x1, v4;
	v5 =	vshrl.u32 v2, $0x10  }
0xa1: {  	v7 =	vmul.f32 v1, v1;
	v6 =	vmul.f32 v3, v3;
	v8 =	vshrl.u32 v3, $0x10  }
0xa2: {  	v9 =	vmul.f32 v2, v2;
	v5 =	vand.u32 $0x1, v5;
	v8 =	vand.u32 $0x1, v8  }
0xa3: {  	v2 =	vadd.s32 v5, v2;
	v6 =	vadd.f32 v7, v6;
	v3 =	vadd.s32 v8, v3  }
0xa4: {  	v1 =	vadd.s32 v4, v1;
	v2 =	vadd.s32 $0x7FFF, v2;
	v3 =	vadd.s32 $0x7FFF, v3  }
0xa5: {  	v1 =	vadd.s32 $0x7FFF, v1;
	v4 =	vadd.f32 v9, v6;
	v3 =	vand.u32 $0xFFFF0000, v3  }
0xa6: {  	v1 =	vand.u32 $0xFFFF0000, v1;
	v3 =	vmul.f32 $-2.000000000e+00, v3  }
0xa7: {  	v1 =	vmul.f32 $-2.000000000e+00, v1;
	v2 =	vand.u32 $0xFFFF0000, v2;
	[tilespmem:s8+$0xFFFFFFE0] =	vst v4  }
0xa8: {  	v2 =	vmul.f32 $-2.000000000e+00, v2;
	[tilespmem:s7+$0xFFFFFFE0] =	vst v3  }
0xa9: {  	[tilespmem:s6+$0xFFFFFFE0] =	vst v1  }
0xaa: {  	[tilespmem:s18+$0xFFFFFFE0] =	vst v2  }
0xab: {  	[tilespmem:s19+$0xFFFFFFE0] =	vst v37  }
0xac: {  	v1 =	vld [tilespmem:s5+$0xFFFFFFF0]  }
0xad: {  	v2 =	vld [tilespmem:s4+$0xFFFFFFF0]  }
0xae: {  	v3 =	vld [tilespmem:s3+$0xFFFFFFF0];
	_ =	sdelay $0x2  }
0xaf: {  	v4 =	vmul.f32 v1, v1;
	v5 =	vshrl.u32 v1, $0x10  }
0xb0: {  	v6 =	vmul.f32 v2, v2;
	v5 =	vand.u32 $0x1, v5;
	v7 =	vshrl.u32 v2, $0x10  }
0xb1: {  	v8 =	vmul.f32 v3, v3;
	v1 =	vadd.s32 v5, v1;
	v5 =	vand.u32 $0x1, v7  }
0xb2: {  	v4 =	vadd.f32 v6, v4;
	v1 =	vadd.s32 $0x7FFF, v1;
	v2 =	vadd.s32 v5, v2  }
0xb3: {  	v5 =	vshrl.u32 v3, $0x10;
	v1 =	vand.u32 $0xFFFF0000, v1;
	v2 =	vadd.s32 $0x7FFF, v2  }
0xb4: {  	v4 =	vadd.f32 v8, v4;
	v1 =	vmul.f32 $-2.000000000e+00, v1;
	v2 =	vand.u32 $0xFFFF0000, v2  }
0xb5: {  	v5 =	vand.u32 $0x1, v5  }
0xb6: {  	v3 =	vadd.s32 v5, v3;
	v2 =	vmul.f32 $-2.000000000e+00, v2;
	[tilespmem:s8+$0xFFFFFFF0] =	vst v4  }
0xb7: {  	[tilespmem:s7+$0xFFFFFFF0] =	vst v1;
	v1 =	vadd.s32 $0x7FFF, v3  }
0xb8: {  	[tilespmem:s6+$0xFFFFFFF0] =	vst v2;
	v1 =	vand.u32 $0xFFFF0000, v1  }
0xb9: {  	v1 =	vmul.f32 $-2.000000000e+00, v1;
	_ =	sdelay $0x1  }
0xba: {  	[tilespmem:s18+$0xFFFFFFF0] =	vst v1  }
0xbb: {  	[tilespmem:s19+$0xFFFFFFF0] =	vst v37  }
0xbc: {  	v1 =	vld [tilespmem:s5+$0x0]  }
0xbd: {  	v2 =	vld [tilespmem:s3+$0x0]  }
0xbe: {  	v3 =	vld [tilespmem:s4+$0x0];
	_ =	sdelay $0x2  }
0xbf: {  	v4 =	vmul.f32 v1, v1;
	v5 =	vshrl.u32 v1, $0x10  }
0xc0: {  	v5 =	vand.u32 $0x1, v5;
	v6 =	vshrl.u32 v2, $0x10  }
0xc1: {  	v7 =	vmul.f32 v3, v3;
	v1 =	vadd.s32 v5, v1;
	v5 =	vshrl.u32 v3, $0x10  }
0xc2: {  	v6 =	vand.u32 $0x1, v6;
	v1 =	vadd.s32 $0x7FFF, v1;
	v5 =	vand.u32 $0x1, v5  }
0xc3: {  	v4 =	vadd.f32 v7, v4;
	v7 =	vmul.f32 v2, v2;
	v3 =	vadd.s32 v5, v3  }
0xc4: {  	v2 =	vadd.s32 v6, v2;
	v3 =	vadd.s32 $0x7FFF, v3  }
0xc5: {  	v1 =	vand.u32 $0xFFFF0000, v1;
	v4 =	vadd.f32 v7, v4;
	v3 =	vand.u32 $0xFFFF0000, v3  }
0xc6: {  	v1 =	vmul.f32 $-2.000000000e+00, v1;
	v2 =	vadd.s32 $0x7FFF, v2  }
0xc7: {  	v2 =	vand.u32 $0xFFFF0000, v2;
	v3 =	vmul.f32 $-2.000000000e+00, v3;
	[tilespmem:s8+$0x0] =	vst v4  }
.Ltmp0:
0xc8: {  	[tilespmem:s7+$0x0] =	vst v1;
	v1 =	vmul.f32 $-2.000000000e+00, v2;
	(pc) =	sbr.rel @p0 .LBB2_2-.Ltmp0, $4  }
0xc9: {  	[tilespmem:s6+$0x0] =	vst v3  }
0xca: {  	[tilespmem:s18+$0x0] =	vst v1  }
0xcb: {  	s5 =	sadd.s32 $0x40, s5;
	s3 =	sadd.s32 $0x40, s3;
	s4 =	sadd.s32 $0x40, s4;
	[tilespmem:s19+$0x0] =	vst v37  }
0xcc: {  	s8 =	sadd.s32 $0x40, s8;
	s7 =	sadd.s32 $0x40, s7;
	s6 =	sadd.s32 $0x40, s6;
	v1 =	vld [tilespmem:s9+$0x10]  }
0xcd: {  	v2 =	vld [tilespmem:s17+$0x10]  }
0xce: {  	v3 =	vld [tilespmem:s30+$0x10];
	_ =	sdelay $0x2  }
0xcf: {  	v4 =	vmul.f32 v1, v1;
	v5 =	vshrl.u32 v1, $0x10  }
0xd0: {  	v6 =	vmul.f32 v2, v2;
	v5 =	vand.u32 $0x1, v5;
	v7 =	vshrl.u32 v2, $0x10  }
0xd1: {  	v8 =	vmul.f32 v3, v3;
	v61 =	vshrl.u32 v3, $0x10;
	v59 =	vadd.s32 v5, v1  }
0xd2: {  	v60 =	vand.u32 $0x1, v7;
	v62 =	vand.u32 $0x1, v61;
	v4 =	vadd.f32 v6, v4  }
0xd3: {  	v1 =	vadd.s32 $0x7FFF, v59;
	v2 =	vadd.s32 v60, v2;
	v3 =	vadd.s32 v62, v3  }
0xd4: {  	v1 =	vand.u32 $0xFFFF0000, v1;
	v2 =	vadd.s32 $0x7FFF, v2;
	v4 =	vadd.f32 v8, v4  }
0xd5: {  	v3 =	vadd.s32 $0x7FFF, v3;
	v2 =	vand.u32 $0xFFFF0000, v2;
	v1 =	vmul.f32 $-2.000000000e+00, v1  }
0xd6: {  	v3 =	vand.u32 $0xFFFF0000, v3;
	v2 =	vmul.f32 $-2.000000000e+00, v2;
	[tilespmem:s31+$0x10] =	vst v4  }
0xd7: {  	v63 =	vmul.f32 $-2.000000000e+00, v3;
	[tilespmem:s0+$0x10] =	vst v1  }
0xd8: {  	[tilespmem:s1+$0x10] =	vst v2  }
0xd9: {  	[tilespmem:s23+$0x10] =	vst v63  }
0xda: {  	s0 =	simm.s32 $0x0;
	[tilespmem:s25+$0x10] =	vst v37  }
.LBB2_4:
0xdb: {  	s31 =	sshllo.u32 s0, $0x3  }
0xdc: {  	s1 =	sshll.u32 s0, $0x3;
	v62 =	vmov s31  }
0xdd: {  	s3 =	sor.u32 $0x1, s1;
	s23 =	sor.u32 $0x2, s1;
	s25 =	sor.u32 $0x3, s1  }
0xde: {  	v1 =	vmov s1;
	s26 =	sor.u32 $0x4, s1;
	s30 =	sor.u32 $0x6, s1;
	s1 =	sor.u32 $0x5, s1  }
0xdf: {  	v0 =	vbroadcast v1, $0x0;
	v8 =	vmov s1;
	s1 =	simm.s32 $0x0  }
0xe0: {  	v37 =	vld [tilespmem:s1+$0x5200]  }
0xe1: {  	v45 =	vld.idx.msk [tilespmem:v62+s29+$0x0], $0xffff  }
0xe2: {  	v2 =	vmov s3;
	v46 =	vld.idx.msk [tilespmem:v62+s15+$0x0], $0xffff  }
0xe3: {  	v54 =	vbroadcast v2, $0x0;
	v47 =	vld.idx.msk [tilespmem:v62+s16+$0x0], $0xffff  }
0xe4: {  	v48 =	vld.idx.msk [tilespmem:v62+s20+$0x0], $0xffff  }
0xe5: {  	v55 =	vld.idx.msk [tilespmem:v0+s29+$0x0], $0xffff  }
0xe6: {  	v3 =	vmov s23;
	v56 =	vld.idx.msk [tilespmem:v0+s15+$0x0], $0xffff  }
0xe7: {  	v57 =	vbroadcast v3, $0x0;
	v16 =	vld.idx.msk [tilespmem:v0+s16+$0x0], $0xffff  }
0xe8: {  	[tilespmem:$0x1FF60] =	vst v0;
	v0 =	vld.idx.msk [tilespmem:v0+s20+$0x0], $0xffff  }
0xe9: {  	v17 =	vld.idx.msk [tilespmem:v54+s29+$0x0], $0xffff  }
0xea: {  	v4 =	vmov s25;
	v13 =	vld.idx.msk [tilespmem:v54+s15+$0x0], $0xffff  }
0xeb: {  	v58 =	vbroadcast v4, $0x0;
	v25 =	vld.idx.msk [tilespmem:v54+s16+$0x0], $0xffff  }
0xec: {  	v20 =	vld.idx.msk [tilespmem:v54+s20+$0x0], $0xffff  }
0xed: {  	v21 =	vld.idx.msk [tilespmem:v57+s29+$0x0], $0xffff  }
0xee: {  	v5 =	vmov s26;
	v15 =	vld.idx.msk [tilespmem:v57+s15+$0x0], $0xffff  }
0xef: {  	v3 =	vbroadcast v5, $0x0;
	v59 =	vld.idx.msk [tilespmem:v57+s16+$0x0], $0xffff  }
0xf0: {  	v60 =	vmov s30;
	v30 =	vld.idx.msk [tilespmem:v57+s20+$0x0], $0xffff  }
0xf1: {  	v61 =	vbroadcast v60, $0x0;
	v32 =	vld.idx.msk [tilespmem:v58+s29+$0x0], $0xffff  }
0xf2: {  	v18 =	vld.idx.msk [tilespmem:v58+s15+$0x0], $0xffff  }
0xf3: {  	v14 =	vld.idx.msk [tilespmem:v58+s16+$0x0], $0xffff  }
0xf4: {  	v36 =	vld.idx.msk [tilespmem:v58+s20+$0x0], $0xffff  }
0xf5: {  	v40 =	vld.idx.msk [tilespmem:v3+s29+$0x0], $0xffff  }
0xf6: {  	v38 =	vld.idx.msk [tilespmem:v3+s15+$0x0], $0xffff  }
0xf7: {  	v63 =	vbroadcast v8, $0x0;
	v42 =	vld.idx.msk [tilespmem:v61+s29+$0x0], $0xffff  }
0xf8: {  	v43 =	vld.idx.msk [tilespmem:v61+s16+$0x0], $0xffff  }
0xf9: {  	v44 =	vld.idx.msk [tilespmem:v61+s20+$0x0], $0xffff  }
0xfa: {  	[tilespmem:$0x1FF80] =	vst v54;
	v54 =	vld [tilespmem:s1+$0x4200]  }
0xfb: {  	[tilespmem:$0x1FFC0] =	vst v62;
	v31 =	vld.idx.msk [tilespmem:v3+s16+$0x0], $0xffff  }
0xfc: {  	[tilespmem:$0x1FFA0] =	vst v57;
	v49 =	vld.idx.msk [tilespmem:v3+s20+$0x0], $0xffff  }
0xfd: {  	[tilespmem:$0x1FFB0] =	vst v58;
	v51 =	vld.idx.msk [tilespmem:v63+s29+$0x0], $0xffff  }
0xfe: {  	[tilespmem:$0x1FF50] =	vst v56;
	v56 =	vld [tilespmem:s1+$0x3200]  }
0xff: {  	[tilespmem:$0x1FF40] =	vst v55;
	v55 =	vld [tilespmem:s1+$0x6200]  }
0x100: {  	v26 =	vimm.f32 $3.000000010e+38;
	v33 =	vimm.f32 $3.000000010e+38;
	v29 =	vimm.f32 $3.000000010e+38;
	[tilespmem:$0x1FFD0] =	vst v3;
	v50 =	vld.idx.msk [tilespmem:v63+s15+$0x0], $0xffff  }
0x101: {  	v27 =	vimm.f32 $3.000000010e+38;
	v24 =	vimm.f32 $3.000000010e+38;
	v23 =	vimm.f32 $3.000000010e+38;
	[tilespmem:$0x1FFE0] =	vst v63;
	v35 =	vld.idx.msk [tilespmem:v63+s16+$0x0], $0xffff  }
0x102: {  	v22 =	vimm.f32 $3.000000010e+38;
	[tilespmem:$0x1FFF0] =	vst v61;
	v53 =	vld.idx.msk [tilespmem:v61+s15+$0x0], $0xffff;
	v34 =	vmul.f32 v37, v47;
	v41 =	vmul.f32 v37, v43  }
0x103: {  	v19 =	vimm.f32 $3.000000010e+38;
	v52 =	vld.idx.msk [tilespmem:v63+s20+$0x0], $0xffff;
	[tilespmem:$0x1FF90] =	vst v59;
	v59 =	vmul.f32 v54, v46;
	v57 =	vmul.f32 v56, v45  }
0x104: {  	s3 =	simm.s32 $0x40;
	[tilespmem:$0x1FF70] =	vst v0;
	v28 =	vadd.f32 v55, v48;
	v58 =	vmul.f32 v56, v42;
	v39 =	vadd.f32 v55, v44  }
.LBB2_5:
0x105: {  	v11 =	vld [tilespmem:$0x1FF40]  }
0x106: {  	v60 =	vmul.f32 v56, v51  }
0x107: {  	v62 =	vmul.f32 v54, v53;
	v63 =	vmul.f32 v56, v40;
	v12 =	vld [tilespmem:$0x1FF70]  }
0x108: {  	v2 =	vmul.f32 v54, v50;
	v3 =	vmul.f32 v37, v25  }
0x109: {  	v61 =	vadd.f32 v55, v52;
	v8 =	vmul.f32 v56, v32;
	v0 =	vmul.f32 v56, v17  }
0x10a: {  	v1 =	vadd.f32 v55, v49;
	v10 =	vmul.f32 v56, v21;
	v56 =	vmul.f32 v56, v11;
	v11 =	vld [tilespmem:$0x1FF50]  }
0x10b: {  	v4 =	vadd.f32 v55, v36;
	v5 =	vmul.f32 v54, v38;
	v7 =	vadd.f32 v55, v30  }
0x10c: {  	v9 =	vadd.f32 v55, v20;
	v55 =	vadd.f32 v55, v12;
	v12 =	vmul.f32 v54, v13  }
0x10d: {  	v6 =	vmul.f32 v37, v16;
	v58 =	vadd.f32 v62, v58;
	v62 =	vmul.f32 v54, v15  }
0x10e: {  	v2 =	vadd.f32 v2, v60;
	v60 =	vld [tilespmem:$0x1FF90];
	v0 =	vadd.f32 v12, v0;
	v12 =	vmul.f32 v54, v18  }
0x10f: {  	v5 =	vadd.f32 v5, v63;
	v10 =	vadd.f32 v62, v10;
	v11 =	vmul.f32 v54, v11  }
0x110: {  	v63 =	vmul.f32 v37, v14;
	v0 =	vadd.f32 v3, v0;
	v62 =	vadd.f32 v12, v8  }
0x111: {  	v57 =	vadd.f32 v59, v57;
	v54 =	vmul.f32 v37, v31;
	v11 =	vadd.f32 v11, v56  }
0x112: {  	v59 =	vld [tilespmem:s1+$0x7200];
	v0 =	vadd.f32 v0, v9;
	v3 =	vadd.f32 v63, v62  }
0x113: {  	v5 =	vadd.f32 v54, v5;
	v6 =	vadd.f32 v6, v11;
	v11 =	vmul.f32 v37, v60  }
0x114: {  	v3 =	vadd.f32 v3, v4;
	v60 =	vadd.f32 v41, v58  }
0x115: {  	s4 =	sshra.s32 s3, $0x2;
	v33 =	vmin.f32 v33, v0;
	v6 =	vadd.f32 v6, v55;
	v10 =	vadd.f32 v11, v10  }
0x116: {  	v1 =	vadd.f32 v5, v1;
	v27 =	vmin.f32 v27, v3;
	v55 =	vmul.f32 v37, v35;
	v37 =	vld [tilespmem:s4+$0x5200]  }
0x117: {  	v5 =	vadd.f32 v60, v39;
	v56 =	vmin.f32 v59, v6;
	v7 =	vadd.f32 v10, v7  }
0x118: {  	v54 =	vld [tilespmem:s4+$0x4200];
	v24 =	vmin.f32 v24, v1;
	v2 =	vadd.f32 v55, v2;
	v9 =	vmin.f32 v56, v0  }
0x119: {  	v55 =	vld [tilespmem:s4+$0x6200];
	v26 =	vmin.f32 v26, v6;
	v22 =	vmin.f32 v22, v5;
	v59 =	vmin.f32 v9, v7  }
0x11a: {  	p0 =	sne.s32 s3, $0x3FC0;
	v56 =	vld [tilespmem:s4+$0x3200];
	v2 =	vadd.f32 v2, v61;
	v61 =	vadd.f32 v34, v57;
	v4 =	vmin.f32 v59, v3  }
.Ltmp1:
0x11b: {  	v29 =	vmin.f32 v29, v7;
	v34 =	vmul.f32 v37, v47;
	v4 =	vmin.f32 v4, v1;
	(pc) =	sbr.rel @p0 .LBB2_5-.Ltmp1, $4  }
0x11c: {  	v41 =	vmul.f32 v37, v43;
	v63 =	vadd.f32 v61, v28;
	v62 =	vmin.f32 v4, v2  }
0x11d: {  	v59 =	vmul.f32 v54, v46;
	v23 =	vmin.f32 v23, v2;
	v0 =	vmin.f32 v62, v5  }
0x11e: {  	v28 =	vadd.f32 v55, v48;
	v39 =	vadd.f32 v55, v44;
	v0 =	vmin.f32 v0, v63  }
0x11f: {  	s3 =	sadd.s32 $0x40, s3;
	v19 =	vmin.f32 v19, v63;
	v57 =	vmul.f32 v56, v45;
	v58 =	vmul.f32 v56, v42;
	[tilespmem:s1+$0x7200] =	vst v0;
	s1 =	smov.u32 s4  }
0x120: {  	v1 =	vadd.f32 v55, v52;
	v52 =	vld [tilespmem:$0x1FF40]  }
0x121: {  	v2 =	vmul.f32 v54, v53;
	v53 =	vld [tilespmem:$0x1FF50];
	_ =	sdelay $0x2  }
0x122: {  	v0 =	vmul.f32 v56, v51  }
0x123: {  	v5 =	vmul.f32 v54, v50;
	v51 =	vmul.f32 v56, v21  }
0x124: {  	v50 =	vadd.f32 v55, v20;
	v20 =	vmul.f32 v56, v52;
	v21 =	vmul.f32 v54, v53  }
0x125: {  	v3 =	vmul.f32 v56, v40;
	v4 =	vadd.f32 v55, v49  }
0x126: {  	v8 =	vmul.f32 v54, v38;
	v9 =	vmul.f32 v37, v16;
	v20 =	vadd.f32 v21, v20  }
0x127: {  	v7 =	vadd.f32 v55, v36;
	v11 =	vmul.f32 v56, v32;
	v12 =	vmul.f32 v56, v17;
	v56 =	vld [tilespmem:$0x1FF70]  }
0x128: {  	v10 =	vadd.f32 v55, v30;
	v13 =	vmul.f32 v54, v13;
	v63 =	vadd.f32 v9, v20;
	v20 =	vld [tilespmem:$0x1FF90]  }
0x129: {  	v15 =	vmul.f32 v54, v15;
	v60 =	vadd.f32 v59, v57;
	v2 =	vadd.f32 v2, v58  }
0x12a: {  	v62 =	vmul.f32 v54, v18;
	v0 =	vadd.f32 v5, v0;
	v12 =	vadd.f32 v13, v12  }
0x12b: {  	v6 =	vmul.f32 v37, v25;
	v61 =	vld [tilespmem:s1+$0x7200];
	v3 =	vadd.f32 v8, v3;
	v18 =	vadd.f32 v15, v51  }
0x12c: {  	v11 =	vadd.f32 v62, v11;
	v21 =	vmul.f32 v37, v14;
	v25 =	vadd.f32 v55, v56  }
0x12d: {  	v6 =	vadd.f32 v6, v12;
	v2 =	vadd.f32 v41, v2;
	v15 =	vmul.f32 v37, v20  }
0x12e: {  	v11 =	vadd.f32 v21, v11;
	v8 =	vadd.f32 v63, v25  }
0x12f: {  	v6 =	vadd.f32 v6, v50;
	v25 =	vmul.f32 v37, v31;
	v9 =	vadd.f32 v15, v18  }
0x130: {  	v7 =	vadd.f32 v11, v7;
	v31 =	vmul.f32 v37, v35;
	v5 =	vmin.f32 v61, v8  }
0x131: {  	v3 =	vadd.f32 v25, v3;
	v8 =	vmin.f32 v26, v8;
	v9 =	vadd.f32 v9, v10  }
0x132: {  	v0 =	vadd.f32 v31, v0;
	v5 =	vmin.f32 v5, v6;
	v6 =	vmin.f32 v33, v6;
	(xrf0) =	vmin.scan.msk.f32 $0xffff, v8  }
0x133: {  	v46 =	vld [tilespmem:$0x1FF60];
	v33 =	vadd.f32 v34, v60;
	v3 =	vadd.f32 v3, v4;
	(xrf0) =	vmin.scan.msk.f32 $0xffff, v6;
	v32 =	vmin.f32 v29, v9  }
0x134: {  	v49 =	vld [tilespmem:$0x1FF80];
	v34 =	vmin.f32 v27, v7;
	v0 =	vadd.f32 v0, v1;
	v5 =	vmin.f32 v5, v9;
	(xrf0) =	vmin.scan.msk.f32 $0xffff, v32  }
0x135: {  	v52 =	vld [tilespmem:$0x1FFA0];
	v2 =	vadd.f32 v2, v39;
	v36 =	vmin.f32 v24, v3;
	v35 =	vmin.f32 v5, v7;
	(xrf0) =	vmin.scan.msk.f32 $0xffff, v34  }
0x136: {  	v55 =	vld [tilespmem:$0x1FFB0];
	v1 =	vadd.f32 v33, v28;
	v37 =	vmin.f32 v23, v0;
	v3 =	vmin.f32 v35, v3;
	(xrf0) =	vmin.scan.msk.f32 $0xffff, v36  }
0x137: {  	v57 =	vld [tilespmem:$0x1FFD0];
	v38 =	vmin.f32 v22, v2;
	v0 =	vmin.f32 v3, v0;
	(xrf0) =	vmin.scan.msk.f32 $0xffff, v37  }
0x138: {  	v60 =	vld [tilespmem:$0x1FFE0];
	v39 =	vmin.f32 v19, v1;
	v40, _, _ =	vpop (xrf0);
	v0 =	vmin.f32 v0, v2;
	(xrf0) =	vmin.scan.msk.f32 $0xffff, v38  }
0x139: {  	v62 =	vld [tilespmem:$0x1FFF0];
	v41 =	vbroadcast v40, $0xF;
	v42, _, _ =	vpop (xrf0);
	v0 =	vmin.f32 v0, v1;
	(xrf0) =	vmin.scan.msk.f32 $0xffff, v39  }
0x13a: {  	v63 =	vld [tilespmem:$0x1FFC0];
	v44 =	vbroadcast v42, $0xF;
	[tilespmem:s1+$0x7200] =	vst v0;
	v43, _, _ =	vpop (xrf0)  }
0x13b: {  	[tilespmem:v46+s21+$0x0] =	vst.idx.msk $0x1, v41;
	v45, _, _ =	vpop (xrf0);
	v47 =	vbroadcast v43, $0xF  }
0x13c: {  	s0 =	sadd.s32 $0x1, s0;
	[tilespmem:v49+s21+$0x0] =	vst.idx.msk $0x1, v44;
	v48, _, _ =	vpop (xrf0);
	v50 =	vbroadcast v45, $0xF  }
0x13d: {  	p0 =	sne.s32 s0, $0xB;
	v51, _, _ =	vpop (xrf0);
	[tilespmem:v52+s21+$0x0] =	vst.idx.msk $0x1, v47;
	v53 =	vbroadcast v48, $0xF  }
.Ltmp2:
0x13e: {  	v54, _, _ =	vpop (xrf0);
	[tilespmem:v55+s21+$0x0] =	vst.idx.msk $0x1, v50;
	v56 =	vbroadcast v51, $0xF;
	(pc) =	sbr.rel @p0 .LBB2_4-.Ltmp2, $4  }
0x13f: {  	[tilespmem:v57+s21+$0x0] =	vst.idx.msk $0x1, v53;
	v58 =	vbroadcast v54, $0xF;
	v59, _, _ =	vpop (xrf0)  }
0x140: {  	[tilespmem:v60+s21+$0x0] =	vst.idx.msk $0x1, v56;
	v61 =	vbroadcast v59, $0xF  }
0x141: {  	[tilespmem:v62+s21+$0x0] =	vst.idx.msk $0x1, v58  }
0x142: {  	[tilespmem:v63+s21+$0x0] =	vst.idx.msk $0x1, v61  }
0x143: {  	s0 =	rddreg [dreg:$0x9];
	s1 =	simm.s32 $0x7200  }
0x144: {  	[spmem:s0] =	stream.strided.scatter [tilespmem:s1], [sflag:$0x1], $0x1000, s22, s15, $0x38;
	[tilespmem:$0x9700] =	vst v63  }
0x145: {  	_ =	swait.ge [sflag:s14], $0x1000  }
0x146: {  	[sflag:s14] =	ssyncset.done $0x0  }
0x147: {  	[sflag:s14] =	ssyncadd.s32 $0xFFFFF000  }
0x148: {  	v37 =	vimm.f32 $3.000000010e+38;
	[bflag:$0x0] =	sbarrier.arrive $0xFFFF  }
0x149: {  	[tilespmem:$0x8280] =	vst v37  }
0x14a: {  	[tilespmem:$0x8290] =	vst v37  }
0x14b: {  	[tilespmem:$0x82A0] =	vst v37  }
0x14c: {  	[tilespmem:$0x82B0] =	vst v37  }
0x14d: {  	[tilespmem:$0x82C0] =	vst v37  }
0x14e: {  	[tilespmem:$0x82D0] =	vst v37  }
0x14f: {  	[tilespmem:$0x82E0] =	vst v37  }
0x150: {  	[tilespmem:$0x82F0] =	vst v37  }
0x151: {  	[tilespmem:$0x8300] =	vst v37  }
0x152: {  	[tilespmem:$0x8310] =	vst v37  }
0x153: {  	[tilespmem:$0x8320] =	vst v37  }
0x154: {  	[tilespmem:$0x8330] =	vst v37  }
0x155: {  	[tilespmem:$0x8340] =	vst v37  }
0x156: {  	[tilespmem:$0x8350] =	vst v37  }
0x157: {  	[tilespmem:$0x8360] =	vst v37  }
0x158: {  	[tilespmem:$0x8370] =	vst v37  }
0x159: {  	[tilespmem:$0x8380] =	vst v37  }
0x15a: {  	[tilespmem:$0x8390] =	vst v37  }
0x15b: {  	[tilespmem:$0x83A0] =	vst v37  }
0x15c: {  	[tilespmem:$0x83B0] =	vst v37  }
0x15d: {  	[tilespmem:$0x83C0] =	vst v37  }
0x15e: {  	[tilespmem:$0x83D0] =	vst v37  }
0x15f: {  	[tilespmem:$0x83E0] =	vst v37  }
0x160: {  	[tilespmem:$0x83F0] =	vst v37  }
0x161: {  	[tilespmem:$0x8400] =	vst v37  }
0x162: {  	[tilespmem:$0x8410] =	vst v37  }
0x163: {  	[tilespmem:$0x8420] =	vst v37  }
0x164: {  	[tilespmem:$0x8430] =	vst v37  }
0x165: {  	[tilespmem:$0x8440] =	vst v37  }
0x166: {  	[tilespmem:$0x8450] =	vst v37  }
0x167: {  	[tilespmem:$0x8460] =	vst v37  }
0x168: {  	s0 =	simm.s32 $0x0;
	[tilespmem:$0x8470] =	vst v37  }
.LBB2_8:
0x169: {  	s1 =	sshra.s32 s0, $0x2  }
0x16a: {  	s1 =	sadd.s32 s1, s10  }
0x16b: {  	[tilespmem:s24], [sflag:$0x1] =	stream.strided.gather [spmem:s1], $0x200, s22, s15, $0x38;
	[tilespmem:$0x9700] =	vst v63  }
0x16c: {  	_ =	swait.ge [sflag:s14], $0x200  }
0x16d: {  	[sflag:s14] =	ssyncset.done $0x0  }
0x16e: {  	[sflag:s14] =	ssyncadd.s32 $0xFFFFFE00  }
0x16f: {  	v0 =	vld [tilespmem:$0x8280]  }
0x170: {  	v1 =	vld [tilespmem:$0x8480]  }
0x171: {  	v2 =	vld [tilespmem:$0x8290]  }
0x172: {  	v3 =	vld [tilespmem:$0x8490]  }
0x173: {  	v4 =	vld [tilespmem:$0x82A0]  }
0x174: {  	v5 =	vld [tilespmem:$0x84A0]  }
0x175: {  	v6 =	vld [tilespmem:$0x82B0]  }
0x176: {  	v7 =	vld [tilespmem:$0x84B0]  }
0x177: {  	v8 =	vld [tilespmem:$0x82C0]  }
0x178: {  	v9 =	vld [tilespmem:$0x84C0]  }
0x179: {  	v10 =	vld [tilespmem:$0x82D0]  }
0x17a: {  	v11 =	vld [tilespmem:$0x84D0]  }
0x17b: {  	v12 =	vld [tilespmem:$0x82E0]  }
0x17c: {  	v13 =	vld [tilespmem:$0x84E0]  }
0x17d: {  	v14 =	vld [tilespmem:$0x82F0]  }
0x17e: {  	v15 =	vld [tilespmem:$0x84F0]  }
0x17f: {  	v16 =	vld [tilespmem:$0x8300]  }
0x180: {  	v17 =	vld [tilespmem:$0x8500]  }
0x181: {  	v18 =	vld [tilespmem:$0x8310]  }
0x182: {  	v19 =	vld [tilespmem:$0x8510]  }
0x183: {  	v20 =	vld [tilespmem:$0x8320]  }
0x184: {  	v21 =	vld [tilespmem:$0x8520]  }
0x185: {  	v22 =	vld [tilespmem:$0x8330]  }
0x186: {  	v23 =	vld [tilespmem:$0x8530]  }
0x187: {  	v24 =	vld [tilespmem:$0x8340]  }
0x188: {  	v25 =	vld [tilespmem:$0x8540]  }
0x189: {  	v26 =	vld [tilespmem:$0x8350]  }
0x18a: {  	v27 =	vld [tilespmem:$0x8550]  }
0x18b: {  	v28 =	vld [tilespmem:$0x8360]  }
0x18c: {  	v29 =	vld [tilespmem:$0x8560]  }
0x18d: {  	v30 =	vld [tilespmem:$0x8370]  }
0x18e: {  	v31 =	vld [tilespmem:$0x8570]  }
0x18f: {  	v32 =	vld [tilespmem:$0x8380]  }
0x190: {  	v33 =	vld [tilespmem:$0x8580]  }
0x191: {  	v34 =	vld [tilespmem:$0x8390]  }
0x192: {  	v35 =	vld [tilespmem:$0x8590]  }
0x193: {  	v36 =	vld [tilespmem:$0x83A0]  }
0x194: {  	v45 =	vld [tilespmem:$0x85A0];
	v0 =	vmin.f32 v0, v1  }
0x195: {  	v47 =	vld [tilespmem:$0x83B0];
	v46 =	vmin.f32 v2, v3;
	[tilespmem:$0x8280] =	vst v0  }
0x196: {  	v49 =	vld [tilespmem:$0x85B0];
	v48 =	vmin.f32 v4, v5;
	[tilespmem:$0x8290] =	vst v46  }
0x197: {  	v51 =	vld [tilespmem:$0x83C0];
	v50 =	vmin.f32 v6, v7;
	[tilespmem:$0x82A0] =	vst v48  }
0x198: {  	v53 =	vld [tilespmem:$0x85C0];
	v52 =	vmin.f32 v8, v9;
	[tilespmem:$0x82B0] =	vst v50  }
0x199: {  	v55 =	vld [tilespmem:$0x83D0];
	v54 =	vmin.f32 v10, v11;
	[tilespmem:$0x82C0] =	vst v52  }
0x19a: {  	v57 =	vld [tilespmem:$0x85D0];
	v56 =	vmin.f32 v12, v13;
	[tilespmem:$0x82D0] =	vst v54  }
0x19b: {  	v59 =	vld [tilespmem:$0x83E0];
	v58 =	vmin.f32 v14, v15;
	[tilespmem:$0x82E0] =	vst v56  }
0x19c: {  	v61 =	vld [tilespmem:$0x85E0];
	v60 =	vmin.f32 v16, v17;
	[tilespmem:$0x82F0] =	vst v58  }
0x19d: {  	v63 =	vld [tilespmem:$0x83F0];
	v62 =	vmin.f32 v18, v19;
	[tilespmem:$0x8300] =	vst v60  }
0x19e: {  	v38 =	vld [tilespmem:$0x8620];
	v20 =	vmin.f32 v20, v21;
	[tilespmem:$0x8310] =	vst v62  }
0x19f: {  	v40 =	vld [tilespmem:$0x8430];
	v22 =	vmin.f32 v22, v23;
	[tilespmem:$0x8320] =	vst v20  }
0x1a0: {  	v42 =	vld [tilespmem:$0x8630];
	v24 =	vmin.f32 v24, v25;
	[tilespmem:$0x8330] =	vst v22  }
0x1a1: {  	v44 =	vld [tilespmem:$0x8440];
	v26 =	vmin.f32 v26, v27;
	[tilespmem:$0x8340] =	vst v24  }
0x1a2: {  	v21 =	vld [tilespmem:$0x85F0];
	v28 =	vmin.f32 v28, v29;
	[tilespmem:$0x8350] =	vst v26  }
0x1a3: {  	v23 =	vld [tilespmem:$0x8400];
	v30 =	vmin.f32 v30, v31;
	[tilespmem:$0x8360] =	vst v28  }
0x1a4: {  	v25 =	vld [tilespmem:$0x8600];
	v33 =	vmin.f32 v32, v33;
	[tilespmem:$0x8370] =	vst v30  }
0x1a5: {  	v27 =	vld [tilespmem:$0x8410];
	v39 =	vmin.f32 v34, v35;
	[tilespmem:$0x8380] =	vst v33  }
0x1a6: {  	v29 =	vld [tilespmem:$0x8610];
	v41 =	vmin.f32 v36, v45;
	[tilespmem:$0x8390] =	vst v39  }
0x1a7: {  	v31 =	vld [tilespmem:$0x8420];
	v43 =	vmin.f32 v47, v49;
	[tilespmem:$0x83A0] =	vst v41  }
0x1a8: {  	v45 =	vmin.f32 v51, v53;
	[tilespmem:$0x83B0] =	vst v43;
	v46 =	vld [tilespmem:$0x8640]  }
0x1a9: {  	v47 =	vmin.f32 v55, v57;
	[tilespmem:$0x83C0] =	vst v45;
	v48 =	vld [tilespmem:$0x8450]  }
0x1aa: {  	v49 =	vmin.f32 v59, v61;
	[tilespmem:$0x83D0] =	vst v47;
	v50 =	vld [tilespmem:$0x8650]  }
0x1ab: {  	v59 =	vmin.f32 v40, v42;
	[tilespmem:$0x83E0] =	vst v49;
	v52 =	vld [tilespmem:$0x8460]  }
0x1ac: {  	v54 =	vld [tilespmem:$0x8660];
	[tilespmem:$0x8430] =	vst v59;
	v51 =	vmin.f32 v63, v21  }
0x1ad: {  	v56 =	vld [tilespmem:$0x8470];
	v53 =	vmin.f32 v23, v25;
	[tilespmem:$0x83F0] =	vst v51  }
0x1ae: {  	v58 =	vld [tilespmem:$0x8670];
	v55 =	vmin.f32 v27, v29;
	[tilespmem:$0x8400] =	vst v53  }
0x1af: {  	p0 =	sne.s32 s0, $0xE00;
	v57 =	vmin.f32 v31, v38;
	[tilespmem:$0x8410] =	vst v55  }
.Ltmp3:
0x1b0: {  	[tilespmem:$0x8420] =	vst v57;
	v60 =	vmin.f32 v44, v46;
	(pc) =	sbr.rel @p0 .LBB2_8-.Ltmp3, $4  }
0x1b1: {  	v61 =	vmin.f32 v48, v50;
	[tilespmem:$0x8440] =	vst v60  }
0x1b2: {  	v62 =	vmin.f32 v52, v54;
	[tilespmem:$0x8450] =	vst v61  }
0x1b3: {  	v63 =	vmin.f32 v56, v58;
	[tilespmem:$0x8460] =	vst v62  }
0x1b4: {  	s0 =	sadd.s32 $0x200, s0;
	[tilespmem:$0x8470] =	vst v63  }
0x1b5: {  	v0 =	vld [tilespmem:$0x8200]  }
0x1b6: {  	v3 =	vld [tilespmem:$0x8210]  }
0x1b7: {  	v5 =	vld [tilespmem:$0x8220]  }
0x1b8: {  	v9 =	vld [tilespmem:$0x8240];
	_ =	sdelay $0x3  }
0x1b9: {  	v0 =	vmax.f32 v0, $0.0e+00  }
0x1ba: {  	v41 =	vld [tilespmem:$0x8230];
	v3 =	vmax.f32 v3, $0.0e+00;
	v5 =	vmax.f32 v5, $0.0e+00;
	v9 =	vmax.f32 v9, $0.0e+00  }
0x1bb: {  	v1 =	vshra.s32 v0, $0x1;
	v2 =	vmul.f32 $5.000000000e-01, v0;
	v6 =	vshra.s32 v3, $0x1  }
0x1bc: {  	v7 =	vmul.f32 $5.000000000e-01, v3;
	v11 =	vshra.s32 v5, $0x1;
	v12 =	vmul.f32 $5.000000000e-01, v5  }
0x1bd: {  	v16 =	vshra.s32 v9, $0x1;
	v17 =	vmul.f32 $5.000000000e-01, v9;
	v1 =	vsub.s32 $0x5F3759DF, v1  }
0x1be: {  	v40 =	vsub.s32 $0x5F3759DF, v6;
	v11 =	vsub.s32 $0x5F3759DF, v11;
	v4 =	vmul.f32 v1, v2  }
0x1bf: {  	v6 =	vmax.f32 v41, $0.0e+00;
	v8 =	vmul.f32 v40, v7;
	v13 =	vmul.f32 v11, v12  }
0x1c0: {  	v14 =	vshra.s32 v6, $0x1;
	v15 =	vmul.f32 $5.000000000e-01, v6;
	v4 =	vmul.f32 v1, v4  }
0x1c1: {  	v14 =	vsub.s32 $0x5F3759DF, v14;
	v8 =	vmul.f32 v40, v8;
	v13 =	vmul.f32 v11, v13  }
0x1c2: {  	v16 =	vsub.s32 $0x5F3759DF, v16;
	v18 =	vmul.f32 v14, v15;
	v4 =	vsub.f32 $1.500000000e+00, v4  }
0x1c3: {  	v42 =	vmul.f32 v16, v17;
	v8 =	vsub.f32 $1.500000000e+00, v8;
	v13 =	vsub.f32 $1.500000000e+00, v13  }
0x1c4: {  	v18 =	vmul.f32 v14, v18;
	v1 =	vmul.f32 v1, v4  }
0x1c5: {  	v4 =	vmul.f32 v40, v8;
	v11 =	vmul.f32 v11, v13  }
0x1c6: {  	v8 =	vmul.f32 v16, v42;
	v10 =	vmul.f32 v1, v2  }
0x1c7: {  	v43 =	vsub.f32 $1.500000000e+00, v18;
	v45 =	vmul.f32 v11, v12  }
0x1c8: {  	v19 =	vmul.f32 v4, v7;
	v8 =	vsub.f32 $1.500000000e+00, v8;
	v10 =	vmul.f32 v10, v1  }
0x1c9: {  	v13 =	vmul.f32 v14, v43;
	v14 =	vmul.f32 v45, v11  }
0x1ca: {  	v44 =	vmul.f32 v19, v4;
	v8 =	vmul.f32 v16, v8;
	v10 =	vsub.f32 $1.500000000e+00, v10  }
0x1cb: {  	v46 =	vmul.f32 v13, v15;
	v14 =	vsub.f32 $1.500000000e+00, v14  }
0x1cc: {  	v47 =	vmul.f32 v8, v17;
	v1 =	vmul.f32 v10, v1;
	v10 =	vsub.f32 $1.500000000e+00, v44  }
0x1cd: {  	v16 =	vmul.f32 v46, v13;
	v11 =	vmul.f32 v14, v11  }
0x1ce: {  	v2 =	vmul.f32 v1, v2;
	v4 =	vmul.f32 v10, v4  }
0x1cf: {  	v48 =	vsub.f32 $1.500000000e+00, v16;
	v10 =	vmul.f32 v47, v8;
	v12 =	vmul.f32 v11, v12  }
0x1d0: {  	v2 =	vmul.f32 v2, v1;
	v7 =	vmul.f32 v4, v7  }
0x1d1: {  	v13 =	vmul.f32 v48, v13;
	v10 =	vsub.f32 $1.500000000e+00, v10  }
0x1d2: {  	v50 =	vmul.f32 v12, v11;
	v2 =	vsub.f32 $1.500000000e+00, v2;
	v7 =	vmul.f32 v7, v4  }
0x1d3: {  	v51 =	vmul.f32 v13, v15;
	v49 =	vmul.f32 v10, v8  }
0x1d4: {  	v1 =	vmul.f32 v2, v1;
	v7 =	vsub.f32 $1.500000000e+00, v7  }
0x1d5: {  	v53 =	vsub.f32 $1.500000000e+00, v50;
	v54 =	vmul.f32 v51, v13;
	v55 =	vmul.f32 v49, v17  }
0x1d6: {  	v0 =	vmul.f32 v1, v0;
	v52 =	vmul.f32 v7, v4  }
0x1d7: {  	v56 =	vmul.f32 v53, v11;
	v57 =	vsub.f32 $1.500000000e+00, v54  }
0x1d8: {  	v58 =	vmul.f32 v55, v49;
	v1 =	vmul.f32 v52, v3;
	v0 =	vadd.f32 $0.0e+00, v0  }
0x1d9: {  	v59 =	vmul.f32 v56, v5  }
0x1da: {  	v60 =	vmul.f32 v57, v13;
	v61 =	vsub.f32 $1.500000000e+00, v58;
	v0 =	vadd.f32 v1, v0;
	_ =	sdelay $0x1  }
0x1db: {  	v62 =	vmul.f32 v60, v6;
	v2 =	vmul.f32 v61, v49;
	v0 =	vadd.f32 v59, v0;
	_ =	sdelay $0x1  }
0x1dc: {  	v63 =	vmul.f32 v2, v9;
	v0 =	vadd.f32 v62, v0;
	_ =	sdelay $0x1  }
0x1dd: {  	v0 =	vadd.f32 v63, v0;
	_ =	sdelay $0x1  }
0x1de: {  	s0 =	simm.s32 $0x8680;
	[tilespmem:$0x8680] =	vst v0  }
0x1df: {  	[hbm4b:s11+s2] =	stream.linear.scatter [tilespmem:s0], [sflag:$0x1], $0x80, $0x38;
	[tilespmem:$0x9700] =	vst v63  }
0x1e0: {  	s28 =	sadd.s32 $0x1, s28;
	_ =	swait.ge [sflag:s14], $0x80  }
0x1e1: {  	p0 =	sne.s32 s28, s13;
	[sflag:s14] =	ssyncset.done $0x0  }
.Ltmp4:
0x1e2: {  	s31 =	simm.s32 $0x8280;
	[sflag:s14] =	ssyncadd.s32 $0xFFFFFF80;
	(pc) =	sbr.rel @p0 .LBB2_1-.Ltmp4, $4  }
0x1e3: {  	[hbm4b:s12+s2] =	stream.linear.scatter [tilespmem:s31], [sflag:$0x1], $0x200, $0x38;
	[tilespmem:$0x9700] =	vst v63  }
0x1e4: {  	_ =	swait.ge [sflag:s14], $0x200  }
0x1e5: {  	[sflag:s14] =	ssyncset.done $0x0  }
0x1e6: {  	[sflag:s14] =	ssyncadd.s32 $0xFFFFFE00  }
0x1e7: {  	_ =	sfence.sel $0x180000  }
0x1e8: {  	[bflag:$0x0] =	sbarrier.arrive $0xFFFF  }
0x1e9: {  	_ =	strace $0x90000047  }
0x1ea: {  	s0 =	stileid.u32;
	[bflag:$0x2] =	sbarrier.arrive $0xFFFF  }
0x1eb: {  	p0 =	sne.s32 s0, $0x0;
	s0 =	rddreg [dreg:$0x2]  }
0x1ec: {  	s0 =	sadd.s32 @!p0 $0x100000, s0  }
0x1ed: {  	[sflag:s0] =	ssyncadd.tile.s32 @!p0 $0x1;
	_ =	shalt  }
.Lfunc_end2:
_tile_overlayer_lowered:
.L_overlay_start_2:
0x1ee: {  	(tag) =	ssettag $0x2  }
0x1ef: {  	s0 =	rddreg [dreg:$0x0];
	s2 =	stileid.u32  }
0x1f0: {  	s1 =	rddreg [dreg:$0x1];
	p0 =	sne.s32 s2, $0x0  }
0x1f1: {  	s3 =	rddreg [dreg:$0x2];
	[bflag:$0x3] =	sbarrier.arrive $0xFFFF;
	s2 =	simm.s32 @!p0 $0x1C01  }
0x1f2: {  	[timem:s3], [sflag:s2] =	dma.local @!p0 [hbm:s0], s1  }
0x1f3: {  	s0 =	simm.s32 @!p0 $0x1  }
0x1f4: {  	_ =	swait.ge @!p0 [sflag:s0], s1  }
0x1f5: {  	s1 =	ssub.s32 @!p0 $0x0, s1;
	[sflag:s0] =	ssyncset.done @!p0 $0x0  }
0x1f6: {  	[sflag:s0] =	ssyncadd.s32 @!p0 s1  }
0x1f7: {  	[bflag:$0x3] =	sbarrier.arrive $0xFFFF  }
0x1f8: {  	_ =	shalt  }

</sc_bundles>
